<compile_context>
chip_gen: v7x
topology: tpu7x:2x2x1
jax: 0.10.2.dev20260603
libtpu: 0.0.44.dev20260713+nightly
codegen_flags: <defaults>
</compile_context>

<pallas_src>
import jax
import jax.numpy as jnp
from jax import lax
from jax.experimental import pallas as pl
from jax.experimental.pallas import tpu as pltpu
from jax.experimental.pallas import tpu_sc as plsc

VOCAB = 49408
B = 256
L = 77
D = 1024
NVEC = 8

NC = 2
NS = 16
NW = NC * NS
N = B * L
PER_W = N // NW
BPW = B // NW
CHUNK = 56
NBUF = 2
NFULL = PER_W // CHUNK
TAIL = PER_W - NFULL * CHUNK


def _gather_kernel(ids_hbm, table_hbm, out_hbm, ids_v, *bufs_and_sems):
    bufs = bufs_and_sems[:NBUF]
    gsems = bufs_and_sems[NBUF:2 * NBUF]
    wsems = bufs_and_sems[2 * NBUF:3 * NBUF]
    wid = lax.axis_index("s") * NC + lax.axis_index("c")
    base = wid * PER_W

    pltpu.sync_copy(ids_hbm.at[pl.ds(base, PER_W)], ids_v)

    sizes = [CHUNK] * NFULL + ([TAIL] if TAIL else [])
    nchunks = len(sizes)

    def gather(c):
        return pltpu.async_copy(
            table_hbm.at[ids_v.at[pl.ds(c * CHUNK, sizes[c])]],
            bufs[c % NBUF].at[pl.ds(0, sizes[c])], gsems[c % NBUF])

    def writeback(c):
        return pltpu.async_copy(
            bufs[c % NBUF].at[pl.ds(0, sizes[c])],
            out_hbm.at[pl.ds(base + c * CHUNK, sizes[c])], wsems[c % NBUF])

    g = [None] * nchunks
    w = [None] * nchunks
    for c in range(nchunks):
        if c >= NBUF:
            w[c - NBUF].wait()
        g[c] = gather(c)
        if c >= 1:
            g[c - 1].wait()
            w[c - 1] = writeback(c - 1)
    g[nchunks - 1].wait()
    w[nchunks - 1] = writeback(nchunks - 1)
    for c in range(max(0, nchunks - NBUF), nchunks - 1):
        w[c].wait()
    w[nchunks - 1].wait()


def _ti_kernel(ti2_hbm, dest_hbm, out_ref,
               ti_v, didx0, didx1, didx2, didx3,
               isem0, isem1, isem2, isem3, dsem):
    wid = lax.axis_index("s") * NC + lax.axis_index("c")
    didxs = (didx0, didx1, didx2, didx3)
    isems = (isem0, isem1, isem2, isem3)
    ic = [pltpu.async_copy(dest_hbm.at[wid, g], didxs[g], isems[g])
          for g in range(BPW // 2)]
    pltpu.sync_copy(ti2_hbm, ti_v)
    scat = []
    for g in range(BPW // 2):
        ic[g].wait()
        scat.append(pltpu.async_copy(ti_v, out_ref.at[didxs[g]], dsem))
    for s in scat:
        s.wait()


@jax.jit
def kernel(input_ids, table, ti_emb, offsets):
    ids_lm = input_ids.T.reshape(N)
    ti2 = jnp.concatenate([ti_emb, ti_emb], axis=0)
    lane = jnp.arange(16, dtype=jnp.int32)
    grp = jnp.arange(BPW // 2, dtype=jnp.int32)
    b = (jnp.arange(NW, dtype=jnp.int32)[:, None, None] * BPW
         + grp[None, :, None] * 2 + (lane[None, None, :] >> 3))
    dest = (offsets[b] + 1 + (lane[None, None, :] & 7)) * B + b

    mesh = plsc.VectorSubcoreMesh(core_axis_name="c", subcore_axis_name="s")
    out2 = pl.kernel(
        _gather_kernel,
        out_type=jax.ShapeDtypeStruct((N, D), jnp.float32),
        mesh=mesh,
        scratch_types=(
            [pltpu.VMEM((PER_W,), jnp.int32)]
            + [pltpu.VMEM((CHUNK, D), jnp.float32)] * NBUF
            + [pltpu.SemaphoreType.DMA] * (2 * NBUF)
        ),
    )(ids_lm, table)

    out_ref = jax.new_ref(out2)
    pl.kernel(
        _ti_kernel,
        out_type=(),
        mesh=mesh,
        scratch_types=(
            [pltpu.VMEM((16, D), jnp.float32)]
            + [pltpu.VMEM((16,), jnp.int32)] * (BPW // 2)
            + [pltpu.SemaphoreType.DMA] * (BPW // 2 + 1)
        ),
    )(ti2, dest, out_ref)
    out = jax.freeze(out_ref)
    return out.reshape(L, B, D).transpose(1, 0, 2)

# --- scband reference (transcript-rebuilt; emitter-appended) ---
"""Pipeline reference for scband-clipembedding-for-textual-inversion-4243427689259 (READ-ONLY COPY).

The authoritative reference and input builder live on the scoring server;
editing this copy changes nothing except your own understanding.
"""

import jax, jax.numpy as jnp
import numpy as np

VOCAB = 49408   # CLIP BPE vocab
B = 256         # SD-scale training batch of prompts
L = 77          # CLIP text context length
D = 1024        # clip_l/ViT-H text width
NVEC = 8        # textual-inversion embedding: 8 learned vectors


def setup_inputs(seed: int = 0) -> dict:
    key = jax.random.key(seed)
    k1, k2, k3, k4 = jax.random.split(key, 4)
    # forward arg (int indices; int32 used so plain CPU jax works without x64)
    input_ids = jax.random.randint(k1, (B, L), 0, VOCAB, dtype=jnp.int32)
    # learned params / module state
    table = jax.random.normal(k2, (VOCAB, D), dtype=jnp.float32) * 0.02   # wrapped nn.Embedding.weight
    ti_emb = jax.random.normal(k3, (NVEC, D), dtype=jnp.float32) * 0.02   # embedding.vec for the TI token
    # embeddings.fixes: one (offset, embedding) fix per batch row; offsets chosen so the
    # full NVEC-length vec always fits (emb_len = min(L-offset-1, NVEC) == NVEC)
    offsets = jax.random.randint(k4, (B,), 0, L - 1 - NVEC, dtype=jnp.int32)
    return {"input_ids": input_ids, "table": table, "ti_emb": ti_emb, "offsets": offsets}


def reference(input_ids, table, ti_emb, offsets):
    # inputs_embeds = self.wrapped(input_ids)
    inputs_embeds = jnp.take(table, input_ids, axis=0)   # [B, L, D] gather
    # per-row splice: tensor = cat([tensor[:offset+1], emb[:emb_len], tensor[offset+1+emb_len:]])
    # with emb_len == NVEC this is exactly an overwrite of rows [offset+1, offset+1+NVEC)
    def splice(row, off):
        return jax.lax.dynamic_update_slice(row, ti_emb.astype(row.dtype), (off + 1, 0))
    return jax.vmap(splice)(inputs_embeds, offsets)

if __name__ == "__main__":
    import jax
    _d = setup_inputs()
    print(jax.jit(kernel)(*tuple(_d.values())))

</pallas_src>

<mosaic_0001>
#map = affine_map<(d0, d1) -> (0)>
#map1 = affine_map<(d0, d1) -> (0, 0)>
module attributes {stable_mosaic.version = 14 : i64} {
  func.func @_gather_kernel(%arg0: i32, %arg1: i32, %arg2: memref<19712xi32, #tpu.memory_space<hbm>>, %arg3: memref<49408x1024xf32, #tpu.memory_space<hbm>>, %arg4: memref<19712x1024xf32, #tpu.memory_space<hbm>>, %arg5: memref<616xi32, #tpu.memory_space<vmem>>, %arg6: memref<56x1024xf32, #tpu.memory_space<vmem>>, %arg7: memref<56x1024xf32, #tpu.memory_space<vmem>>, %arg8: memref<!tpu.dma_semaphore, #tpu.memory_space<semaphore_mem>>, %arg9: memref<!tpu.dma_semaphore, #tpu.memory_space<semaphore_mem>>, %arg10: memref<!tpu.dma_semaphore, #tpu.memory_space<semaphore_mem>>, %arg11: memref<!tpu.dma_semaphore, #tpu.memory_space<semaphore_mem>>) attributes {dimension_semantics = [#tpu.dimension_semantics<core_parallel>, #tpu.dimension_semantics<subcore_parallel>], iteration_bounds = array<i64: 2, 16>, scalar_prefetch = 0 : i64, scratch_operands = 7 : i64, tpu.core_type = #tpu.core_type<sc_vector_subcore>, window_params = [{transform_indices = #map}, {transform_indices = #map1}, {transform_indices = #map1}]} {
    %mul3A = arith.constant 2 : i32
    %mul3A_0 = arith.muli %arg1, %mul3A : i32
    %add3A = arith.addi %mul3A_0, %arg0 : i32
    %mul3A_1 = arith.constant 616 : i32
    %mul3A_2 = arith.muli %add3A, %mul3A_1 : i32
    "tpu.region"() ({
      %run_scoped3A = tpu.sem_alloc : memref<!tpu.dma_semaphore, #tpu.memory_space<semaphore_mem>>
      %dma_start3A_419 = tpu.memref_slice %arg2[%mul3A_2] : memref<19712xi32, #tpu.memory_space<hbm>> -> memref<616xi32, #tpu.memory_space<hbm>>
      %dma_start3A_420 = tpu.memref_slice %arg2[%mul3A_2] : memref<19712xi32, #tpu.memory_space<hbm>> -> memref<616xi32, #tpu.memory_space<hbm>>
      tpu.enqueue_dma source(%dma_start3A_420 : memref<616xi32, #tpu.memory_space<hbm>>) target(%arg5 : memref<616xi32, #tpu.memory_space<vmem>>) target_semaphore(%run_scoped3A : memref<!tpu.dma_semaphore, #tpu.memory_space<semaphore_mem>>)
      %dma_wait3A_421 = tpu.memref_slice %arg2[%mul3A_2] : memref<19712xi32, #tpu.memory_space<hbm>> -> memref<616xi32, #tpu.memory_space<hbm>>
      %dma_wait3A_422 = tpu.memref_slice %arg2[%mul3A_2] : memref<19712xi32, #tpu.memory_space<hbm>> -> memref<616xi32, #tpu.memory_space<hbm>>
      tpu.wait_dma2 semaphore(%run_scoped3A : memref<!tpu.dma_semaphore, #tpu.memory_space<semaphore_mem>>) src(%dma_wait3A_422 : memref<616xi32, #tpu.memory_space<hbm>>) dst(%arg5 : memref<616xi32, #tpu.memory_space<vmem>>)
      tpu.yield
    }) : () -> ()
    %dma_start3A = arith.constant 0 : i32
    %dma_start3A_3 = arith.constant 0 : i32
    %dma_start3A_4 = tpu.memref_slice %arg6[%dma_start3A, %dma_start3A_3] : memref<56x1024xf32, #tpu.memory_space<vmem>> -> memref<56x1024xf32, #tpu.memory_space<vmem>>
    %dma_start3A_5 = arith.constant 0 : i32
    %dma_start3A_6 = tpu.memref_slice %arg5[%dma_start3A_5] : memref<616xi32, #tpu.memory_space<vmem>> -> memref<56xi32, #tpu.memory_space<vmem>>
    %dma_start3A_7 = arith.constant 0 : i32
    %dma_start3A_8 = arith.constant 0 : i32
    %dma_start3A_9 = tpu.memref_slice %arg3[%dma_start3A_7, %dma_start3A_8] : memref<49408x1024xf32, #tpu.memory_space<hbm>> -> memref<49408x1024xf32, #tpu.memory_space<hbm>>
    tpu.enqueue_indirect_dma source(%dma_start3A_9 : memref<49408x1024xf32, #tpu.memory_space<hbm>>) target(%dma_start3A_4 : memref<56x1024xf32, #tpu.memory_space<vmem>>) offsets(%dma_start3A_6 : memref<56xi32, #tpu.memory_space<vmem>>) semaphore(%arg8 : memref<!tpu.dma_semaphore, #tpu.memory_space<semaphore_mem>>)
    %dma_start3A_10 = arith.constant 0 : i32
    %dma_start3A_11 = arith.constant 0 : i32
    %dma_start3A_12 = tpu.memref_slice %arg7[%dma_start3A_10, %dma_start3A_11] : memref<56x1024xf32, #tpu.memory_space<vmem>> -> memref<56x1024xf32, #tpu.memory_space<vmem>>
    %dma_start3A_13 = arith.constant 56 : i32
    %dma_start3A_14 = tpu.memref_slice %arg5[%dma_start3A_13] : memref<616xi32, #tpu.memory_space<vmem>> -> memref<56xi32, #tpu.memory_space<vmem>>
    %dma_start3A_15 = arith.constant 0 : i32
    %dma_start3A_16 = arith.constant 0 : i32
    %dma_start3A_17 = tpu.memref_slice %arg3[%dma_start3A_15, %dma_start3A_16] : memref<49408x1024xf32, #tpu.memory_space<hbm>> -> memref<49408x1024xf32, #tpu.memory_space<hbm>>
    tpu.enqueue_indirect_dma source(%dma_start3A_17 : memref<49408x1024xf32, #tpu.memory_space<hbm>>) target(%dma_start3A_12 : memref<56x1024xf32, #tpu.memory_space<vmem>>) offsets(%dma_start3A_14 : memref<56xi32, #tpu.memory_space<vmem>>) semaphore(%arg9 : memref<!tpu.dma_semaphore, #tpu.memory_space<semaphore_mem>>)
    %dma_wait3A = arith.constant 0 : i32
    %dma_wait3A_18 = arith.constant 0 : i32
    %dma_wait3A_19 = tpu.memref_slice %arg6[%dma_wait3A, %dma_wait3A_18] : memref<56x1024xf32, #tpu.memory_space<vmem>> -> memref<56x1024xf32, #tpu.memory_space<vmem>>
    %dma_wait3A_20 = arith.constant 0 : i32
    %dma_wait3A_21 = tpu.memref_slice %arg5[%dma_wait3A_20] : memref<616xi32, #tpu.memory_space<vmem>> -> memref<56xi32, #tpu.memory_space<vmem>>
    %dma_wait3A_22 = arith.constant 0 : i32
    %dma_wait3A_23 = arith.constant 0 : i32
    %dma_wait3A_24 = tpu.memref_slice %arg3[%dma_wait3A_22, %dma_wait3A_23] : memref<49408x1024xf32, #tpu.memory_space<hbm>> -> memref<49408x1024xf32, #tpu.memory_space<hbm>>
    tpu.wait_indirect_dma semaphore(%arg8 : memref<!tpu.dma_semaphore, #tpu.memory_space<semaphore_mem>>) src(%dma_wait3A_24 : memref<49408x1024xf32, #tpu.memory_space<hbm>>) dst(%dma_wait3A_19 : memref<56x1024xf32, #tpu.memory_space<vmem>>)
    %add3A_25 = arith.constant 0 : i32
    %add3A_26 = arith.addi %mul3A_2, %add3A_25 : i32
    %dma_start3A_27 = arith.constant 0 : i32
    %dma_start3A_28 = arith.constant 0 : i32
    %dma_start3A_29 = tpu.memref_slice %arg6[%dma_start3A_27, %dma_start3A_28] : memref<56x1024xf32, #tpu.memory_space<vmem>> -> memref<56x1024xf32, #tpu.memory_space<vmem>>
    %dma_start3A_30 = arith.constant 0 : i32
    %dma_start3A_31 = tpu.memref_slice %arg4[%add3A_26, %dma_start3A_30] : memref<19712x1024xf32, #tpu.memory_space<hbm>> -> memref<56x1024xf32, #tpu.memory_space<hbm>>
    %dma_start3A_32 = arith.constant 0 : i32
    %dma_start3A_33 = tpu.memref_slice %arg4[%add3A_26, %dma_start3A_32] : memref<19712x1024xf32, #tpu.memory_space<hbm>> -> memref<56x1024xf32, #tpu.memory_space<hbm>>
    %dma_start3A_34 = arith.constant 0 : i32
    %dma_start3A_35 = arith.constant 0 : i32
    %dma_start3A_36 = tpu.memref_slice %arg6[%dma_start3A_34, %dma_start3A_35] : memref<56x1024xf32, #tpu.memory_space<vmem>> -> memref<56x1024xf32, #tpu.memory_space<vmem>>
    tpu.enqueue_dma source(%dma_start3A_36 : memref<56x1024xf32, #tpu.memory_space<vmem>>) target(%dma_start3A_33 : memref<56x1024xf32, #tpu.memory_space<hbm>>) target_semaphore(%arg10 : memref<!tpu.dma_semaphore, #tpu.memory_space<semaphore_mem>>)
    %dma_wait3A_37 = arith.constant 0 : i32
    %dma_wait3A_38 = arith.constant 0 : i32
    %dma_wait3A_39 = tpu.memref_slice %arg6[%dma_wait3A_37, %dma_wait3A_38] : memref<56x1024xf32, #tpu.memory_space<vmem>> -> memref<56x1024xf32, #tpu.memory_space<vmem>>
    %dma_wait3A_40 = arith.constant 0 : i32
    %dma_wait3A_41 = tpu.memref_slice %arg4[%add3A_26, %dma_wait3A_40] : memref<19712x1024xf32, #tpu.memory_space<hbm>> -> memref<56x1024xf32, #tpu.memory_space<hbm>>
    %dma_wait3A_42 = arith.constant 0 : i32
    %dma_wait3A_43 = tpu.memref_slice %arg4[%add3A_26, %dma_wait3A_42] : memref<19712x1024xf32, #tpu.memory_space<hbm>> -> memref<56x1024xf32, #tpu.memory_space<hbm>>
    %dma_wait3A_44 = arith.constant 0 : i32
    %dma_wait3A_45 = arith.constant 0 : i32
    %dma_wait3A_46 = tpu.memref_slice %arg6[%dma_wait3A_44, %dma_wait3A_45] : memref<56x1024xf32, #tpu.memory_space<vmem>> -> memref<56x1024xf32, #tpu.memory_space<vmem>>
    tpu.wait_dma2 semaphore(%arg10 : memref<!tpu.dma_semaphore, #tpu.memory_space<semaphore_mem>>) src(%dma_wait3A_46 : memref<56x1024xf32, #tpu.memory_space<vmem>>) dst(%dma_wait3A_43 : memref<56x1024xf32, #tpu.memory_space<hbm>>)
    %dma_start3A_47 = arith.constant 0 : i32
    %dma_start3A_48 = arith.constant 0 : i32
    %dma_start3A_49 = tpu.memref_slice %arg6[%dma_start3A_47, %dma_start3A_48] : memref<56x1024xf32, #tpu.memory_space<vmem>> -> memref<56x1024xf32, #tpu.memory_space<vmem>>
    %dma_start3A_50 = arith.constant 112 : i32
    %dma_start3A_51 = tpu.memref_slice %arg5[%dma_start3A_50] : memref<616xi32, #tpu.memory_space<vmem>> -> memref<56xi32, #tpu.memory_space<vmem>>
    %dma_start3A_52 = arith.constant 0 : i32
    %dma_start3A_53 = arith.constant 0 : i32
    %dma_start3A_54 = tpu.memref_slice %arg3[%dma_start3A_52, %dma_start3A_53] : memref<49408x1024xf32, #tpu.memory_space<hbm>> -> memref<49408x1024xf32, #tpu.memory_space<hbm>>
    tpu.enqueue_indirect_dma source(%dma_start3A_54 : memref<49408x1024xf32, #tpu.memory_space<hbm>>) target(%dma_start3A_49 : memref<56x1024xf32, #tpu.memory_space<vmem>>) offsets(%dma_start3A_51 : memref<56xi32, #tpu.memory_space<vmem>>) semaphore(%arg8 : memref<!tpu.dma_semaphore, #tpu.memory_space<semaphore_mem>>)
    %dma_wait3A_55 = arith.constant 0 : i32
    %dma_wait3A_56 = arith.constant 0 : i32
    %dma_wait3A_57 = tpu.memref_slice %arg7[%dma_wait3A_55, %dma_wait3A_56] : memref<56x1024xf32, #tpu.memory_space<vmem>> -> memref<56x1024xf32, #tpu.memory_space<vmem>>
    %dma_wait3A_58 = arith.constant 56 : i32
    %dma_wait3A_59 = tpu.memref_slice %arg5[%dma_wait3A_58] : memref<616xi32, #tpu.memory_space<vmem>> -> memref<56xi32, #tpu.memory_space<vmem>>
    %dma_wait3A_60 = arith.constant 0 : i32
    %dma_wait3A_61 = arith.constant 0 : i32
    %dma_wait3A_62 = tpu.memref_slice %arg3[%dma_wait3A_60, %dma_wait3A_61] : memref<49408x1024xf32, #tpu.memory_space<hbm>> -> memref<49408x1024xf32, #tpu.memory_space<hbm>>
    tpu.wait_indirect_dma semaphore(%arg9 : memref<!tpu.dma_semaphore, #tpu.memory_space<semaphore_mem>>) src(%dma_wait3A_62 : memref<49408x1024xf32, #tpu.memory_space<hbm>>) dst(%dma_wait3A_57 : memref<56x1024xf32, #tpu.memory_space<vmem>>)
    %add3A_63 = arith.constant 56 : i32
    %add3A_64 = arith.addi %mul3A_2, %add3A_63 : i32
    %dma_start3A_65 = arith.constant 0 : i32
    %dma_start3A_66 = arith.constant 0 : i32
    %dma_start3A_67 = tpu.memref_slice %arg7[%dma_start3A_65, %dma_start3A_66] : memref<56x1024xf32, #tpu.memory_space<vmem>> -> memref<56x1024xf32, #tpu.memory_space<vmem>>
    %dma_start3A_68 = arith.constant 0 : i32
    %dma_start3A_69 = tpu.memref_slice %arg4[%add3A_64, %dma_start3A_68] : memref<19712x1024xf32, #tpu.memory_space<hbm>> -> memref<56x1024xf32, #tpu.memory_space<hbm>>
    %dma_start3A_70 = arith.constant 0 : i32
    %dma_start3A_71 = tpu.memref_slice %arg4[%add3A_64, %dma_start3A_70] : memref<19712x1024xf32, #tpu.memory_space<hbm>> -> memref<56x1024xf32, #tpu.memory_space<hbm>>
    %dma_start3A_72 = arith.constant 0 : i32
    %dma_start3A_73 = arith.constant 0 : i32
    %dma_start3A_74 = tpu.memref_slice %arg7[%dma_start3A_72, %dma_start3A_73] : memref<56x1024xf32, #tpu.memory_space<vmem>> -> memref<56x1024xf32, #tpu.memory_space<vmem>>
    tpu.enqueue_dma source(%dma_start3A_74 : memref<56x1024xf32, #tpu.memory_space<vmem>>) target(%dma_start3A_71 : memref<56x1024xf32, #tpu.memory_space<hbm>>) target_semaphore(%arg11 : memref<!tpu.dma_semaphore, #tpu.memory_space<semaphore_mem>>)
    %dma_wait3A_75 = arith.constant 0 : i32
    %dma_wait3A_76 = arith.constant 0 : i32
    %dma_wait3A_77 = tpu.memref_slice %arg7[%dma_wait3A_75, %dma_wait3A_76] : memref<56x1024xf32, #tpu.memory_space<vmem>> -> memref<56x1024xf32, #tpu.memory_space<vmem>>
    %dma_wait3A_78 = arith.constant 0 : i32
    %dma_wait3A_79 = tpu.memref_slice %arg4[%add3A_64, %dma_wait3A_78] : memref<19712x1024xf32, #tpu.memory_space<hbm>> -> memref<56x1024xf32, #tpu.memory_space<hbm>>
    %dma_wait3A_80 = arith.constant 0 : i32
    %dma_wait3A_81 = tpu.memref_slice %arg4[%add3A_64, %dma_wait3A_80] : memref<19712x1024xf32, #tpu.memory_space<hbm>> -> memref<56x1024xf32, #tpu.memory_space<hbm>>
    %dma_wait3A_82 = arith.constant 0 : i32
    %dma_wait3A_83 = arith.constant 0 : i32
    %dma_wait3A_84 = tpu.memref_slice %arg7[%dma_wait3A_82, %dma_wait3A_83] : memref<56x1024xf32, #tpu.memory_space<vmem>> -> memref<56x1024xf32, #tpu.memory_space<vmem>>
    tpu.wait_dma2 semaphore(%arg11 : memref<!tpu.dma_semaphore, #tpu.memory_space<semaphore_mem>>) src(%dma_wait3A_84 : memref<56x1024xf32, #tpu.memory_space<vmem>>) dst(%dma_wait3A_81 : memref<56x1024xf32, #tpu.memory_space<hbm>>)
    %dma_start3A_85 = arith.constant 0 : i32
    %dma_start3A_86 = arith.constant 0 : i32
    %dma_start3A_87 = tpu.memref_slice %arg7[%dma_start3A_85, %dma_start3A_86] : memref<56x1024xf32, #tpu.memory_space<vmem>> -> memref<56x1024xf32, #tpu.memory_space<vmem>>
    %dma_start3A_88 = arith.constant 168 : i32
    %dma_start3A_89 = tpu.memref_slice %arg5[%dma_start3A_88] : memref<616xi32, #tpu.memory_space<vmem>> -> memref<56xi32, #tpu.memory_space<vmem>>
    %dma_start3A_90 = arith.constant 0 : i32
    %dma_start3A_91 = arith.constant 0 : i32
    %dma_start3A_92 = tpu.memref_slice %arg3[%dma_start3A_90, %dma_start3A_91] : memref<49408x1024xf32, #tpu.memory_space<hbm>> -> memref<49408x1024xf32, #tpu.memory_space<hbm>>
    tpu.enqueue_indirect_dma source(%dma_start3A_92 : memref<49408x1024xf32, #tpu.memory_space<hbm>>) target(%dma_start3A_87 : memref<56x1024xf32, #tpu.memory_space<vmem>>) offsets(%dma_start3A_89 : memref<56xi32, #tpu.memory_space<vmem>>) semaphore(%arg9 : memref<!tpu.dma_semaphore, #tpu.memory_space<semaphore_mem>>)
    %dma_wait3A_93 = arith.constant 0 : i32
    %dma_wait3A_94 = arith.constant 0 : i32
    %dma_wait3A_95 = tpu.memref_slice %arg6[%dma_wait3A_93, %dma_wait3A_94] : memref<56x1024xf32, #tpu.memory_space<vmem>> -> memref<56x1024xf32, #tpu.memory_space<vmem>>
    %dma_wait3A_96 = arith.constant 112 : i32
    %dma_wait3A_97 = tpu.memref_slice %arg5[%dma_wait3A_96] : memref<616xi32, #tpu.memory_space<vmem>> -> memref<56xi32, #tpu.memory_space<vmem>>
    %dma_wait3A_98 = arith.constant 0 : i32
    %dma_wait3A_99 = arith.constant 0 : i32
    %dma_wait3A_100 = tpu.memref_slice %arg3[%dma_wait3A_98, %dma_wait3A_99] : memref<49408x1024xf32, #tpu.memory_space<hbm>> -> memref<49408x1024xf32, #tpu.memory_space<hbm>>
    tpu.wait_indirect_dma semaphore(%arg8 : memref<!tpu.dma_semaphore, #tpu.memory_space<semaphore_mem>>) src(%dma_wait3A_100 : memref<49408x1024xf32, #tpu.memory_space<hbm>>) dst(%dma_wait3A_95 : memref<56x1024xf32, #tpu.memory_space<vmem>>)
    %add3A_101 = arith.constant 112 : i32
    %add3A_102 = arith.addi %mul3A_2, %add3A_101 : i32
    %dma_start3A_103 = arith.constant 0 : i32
    %dma_start3A_104 = arith.constant 0 : i32
    %dma_start3A_105 = tpu.memref_slice %arg6[%dma_start3A_103, %dma_start3A_104] : memref<56x1024xf32, #tpu.memory_space<vmem>> -> memref<56x1024xf32, #tpu.memory_space<vmem>>
    %dma_start3A_106 = arith.constant 0 : i32
    %dma_start3A_107 = tpu.memref_slice %arg4[%add3A_102, %dma_start3A_106] : memref<19712x1024xf32, #tpu.memory_space<hbm>> -> memref<56x1024xf32, #tpu.memory_space<hbm>>
    %dma_start3A_108 = arith.constant 0 : i32
    %dma_start3A_109 = tpu.memref_slice %arg4[%add3A_102, %dma_start3A_108] : memref<19712x1024xf32, #tpu.memory_space<hbm>> -> memref<56x1024xf32, #tpu.memory_space<hbm>>
    %dma_start3A_110 = arith.constant 0 : i32
    %dma_start3A_111 = arith.constant 0 : i32
    %dma_start3A_112 = tpu.memref_slice %arg6[%dma_start3A_110, %dma_start3A_111] : memref<56x1024xf32, #tpu.memory_space<vmem>> -> memref<56x1024xf32, #tpu.memory_space<vmem>>
    tpu.enqueue_dma source(%dma_start3A_112 : memref<56x1024xf32, #tpu.memory_space<vmem>>) target(%dma_start3A_109 : memref<56x1024xf32, #tpu.memory_space<hbm>>) target_semaphore(%arg10 : memref<!tpu.dma_semaphore, #tpu.memory_space<semaphore_mem>>)
    %dma_wait3A_113 = arith.constant 0 : i32
    %dma_wait3A_114 = arith.constant 0 : i32
    %dma_wait3A_115 = tpu.memref_slice %arg6[%dma_wait3A_113, %dma_wait3A_114] : memref<56x1024xf32, #tpu.memory_space<vmem>> -> memref<56x1024xf32, #tpu.memory_space<vmem>>
    %dma_wait3A_116 = arith.constant 0 : i32
    %dma_wait3A_117 = tpu.memref_slice %arg4[%add3A_102, %dma_wait3A_116] : memref<19712x1024xf32, #tpu.memory_space<hbm>> -> memref<56x1024xf32, #tpu.memory_space<hbm>>
    %dma_wait3A_118 = arith.constant 0 : i32
    %dma_wait3A_119 = tpu.memref_slice %arg4[%add3A_102, %dma_wait3A_118] : memref<19712x1024xf32, #tpu.memory_space<hbm>> -> memref<56x1024xf32, #tpu.memory_space<hbm>>
    %dma_wait3A_120 = arith.constant 0 : i32
    %dma_wait3A_121 = arith.constant 0 : i32
    %dma_wait3A_122 = tpu.memref_slice %arg6[%dma_wait3A_120, %dma_wait3A_121] : memref<56x1024xf32, #tpu.memory_space<vmem>> -> memref<56x1024xf32, #tpu.memory_space<vmem>>
    tpu.wait_dma2 semaphore(%arg10 : memref<!tpu.dma_semaphore, #tpu.memory_space<semaphore_mem>>) src(%dma_wait3A_122 : memref<56x1024xf32, #tpu.memory_space<vmem>>) dst(%dma_wait3A_119 : memref<56x1024xf32, #tpu.memory_space<hbm>>)
    %dma_start3A_123 = arith.constant 0 : i32
    %dma_start3A_124 = arith.constant 0 : i32
    %dma_start3A_125 = tpu.memref_slice %arg6[%dma_start3A_123, %dma_start3A_124] : memref<56x1024xf32, #tpu.memory_space<vmem>> -> memref<56x1024xf32, #tpu.memory_space<vmem>>
    %dma_start3A_126 = arith.constant 224 : i32
    %dma_start3A_127 = tpu.memref_slice %arg5[%dma_start3A_126] : memref<616xi32, #tpu.memory_space<vmem>> -> memref<56xi32, #tpu.memory_space<vmem>>
    %dma_start3A_128 = arith.constant 0 : i32
    %dma_start3A_129 = arith.constant 0 : i32
    %dma_start3A_130 = tpu.memref_slice %arg3[%dma_start3A_128, %dma_start3A_129] : memref<49408x1024xf32, #tpu.memory_space<hbm>> -> memref<49408x1024xf32, #tpu.memory_space<hbm>>
    tpu.enqueue_indirect_dma source(%dma_start3A_130 : memref<49408x1024xf32, #tpu.memory_space<hbm>>) target(%dma_start3A_125 : memref<56x1024xf32, #tpu.memory_space<vmem>>) offsets(%dma_start3A_127 : memref<56xi32, #tpu.memory_space<vmem>>) semaphore(%arg8 : memref<!tpu.dma_semaphore, #tpu.memory_space<semaphore_mem>>)
    %dma_wait3A_131 = arith.constant 0 : i32
    %dma_wait3A_132 = arith.constant 0 : i32
    %dma_wait3A_133 = tpu.memref_slice %arg7[%dma_wait3A_131, %dma_wait3A_132] : memref<56x1024xf32, #tpu.memory_space<vmem>> -> memref<56x1024xf32, #tpu.memory_space<vmem>>
    %dma_wait3A_134 = arith.constant 168 : i32
    %dma_wait3A_135 = tpu.memref_slice %arg5[%dma_wait3A_134] : memref<616xi32, #tpu.memory_space<vmem>> -> memref<56xi32, #tpu.memory_space<vmem>>
    %dma_wait3A_136 = arith.constant 0 : i32
    %dma_wait3A_137 = arith.constant 0 : i32
    %dma_wait3A_138 = tpu.memref_slice %arg3[%dma_wait3A_136, %dma_wait3A_137] : memref<49408x1024xf32, #tpu.memory_space<hbm>> -> memref<49408x1024xf32, #tpu.memory_space<hbm>>
    tpu.wait_indirect_dma semaphore(%arg9 : memref<!tpu.dma_semaphore, #tpu.memory_space<semaphore_mem>>) src(%dma_wait3A_138 : memref<49408x1024xf32, #tpu.memory_space<hbm>>) dst(%dma_wait3A_133 : memref<56x1024xf32, #tpu.memory_space<vmem>>)
    %add3A_139 = arith.constant 168 : i32
    %add3A_140 = arith.addi %mul3A_2, %add3A_139 : i32
    %dma_start3A_141 = arith.constant 0 : i32
    %dma_start3A_142 = arith.constant 0 : i32
    %dma_start3A_143 = tpu.memref_slice %arg7[%dma_start3A_141, %dma_start3A_142] : memref<56x1024xf32, #tpu.memory_space<vmem>> -> memref<56x1024xf32, #tpu.memory_space<vmem>>
    %dma_start3A_144 = arith.constant 0 : i32
    %dma_start3A_145 = tpu.memref_slice %arg4[%add3A_140, %dma_start3A_144] : memref<19712x1024xf32, #tpu.memory_space<hbm>> -> memref<56x1024xf32, #tpu.memory_space<hbm>>
    %dma_start3A_146 = arith.constant 0 : i32
    %dma_start3A_147 = tpu.memref_slice %arg4[%add3A_140, %dma_start3A_146] : memref<19712x1024xf32, #tpu.memory_space<hbm>> -> memref<56x1024xf32, #tpu.memory_space<hbm>>
    %dma_start3A_148 = arith.constant 0 : i32
    %dma_start3A_149 = arith.constant 0 : i32
    %dma_start3A_150 = tpu.memref_slice %arg7[%dma_start3A_148, %dma_start3A_149] : memref<56x1024xf32, #tpu.memory_space<vmem>> -> memref<56x1024xf32, #tpu.memory_space<vmem>>
    tpu.enqueue_dma source(%dma_start3A_150 : memref<56x1024xf32, #tpu.memory_space<vmem>>) target(%dma_start3A_147 : memref<56x1024xf32, #tpu.memory_space<hbm>>) target_semaphore(%arg11 : memref<!tpu.dma_semaphore, #tpu.memory_space<semaphore_mem>>)
    %dma_wait3A_151 = arith.constant 0 : i32
    %dma_wait3A_152 = arith.constant 0 : i32
    %dma_wait3A_153 = tpu.memref_slice %arg7[%dma_wait3A_151, %dma_wait3A_152] : memref<56x1024xf32, #tpu.memory_space<vmem>> -> memref<56x1024xf32, #tpu.memory_space<vmem>>
    %dma_wait3A_154 = arith.constant 0 : i32
    %dma_wait3A_155 = tpu.memref_slice %arg4[%add3A_140, %dma_wait3A_154] : memref<19712x1024xf32, #tpu.memory_space<hbm>> -> memref<56x1024xf32, #tpu.memory_space<hbm>>
    %dma_wait3A_156 = arith.constant 0 : i32
    %dma_wait3A_157 = tpu.memref_slice %arg4[%add3A_140, %dma_wait3A_156] : memref<19712x1024xf32, #tpu.memory_space<hbm>> -> memref<56x1024xf32, #tpu.memory_space<hbm>>
    %dma_wait3A_158 = arith.constant 0 : i32
    %dma_wait3A_159 = arith.constant 0 : i32
    %dma_wait3A_160 = tpu.memref_slice %arg7[%dma_wait3A_158, %dma_wait3A_159] : memref<56x1024xf32, #tpu.memory_space<vmem>> -> memref<56x1024xf32, #tpu.memory_space<vmem>>
    tpu.wait_dma2 semaphore(%arg11 : memref<!tpu.dma_semaphore, #tpu.memory_space<semaphore_mem>>) src(%dma_wait3A_160 : memref<56x1024xf32, #tpu.memory_space<vmem>>) dst(%dma_wait3A_157 : memref<56x1024xf32, #tpu.memory_space<hbm>>)
    %dma_start3A_161 = arith.constant 0 : i32
    %dma_start3A_162 = arith.constant 0 : i32
    %dma_start3A_163 = tpu.memref_slice %arg7[%dma_start3A_161, %dma_start3A_162] : memref<56x1024xf32, #tpu.memory_space<vmem>> -> memref<56x1024xf32, #tpu.memory_space<vmem>>
    %dma_start3A_164 = arith.constant 280 : i32
    %dma_start3A_165 = tpu.memref_slice %arg5[%dma_start3A_164] : memref<616xi32, #tpu.memory_space<vmem>> -> memref<56xi32, #tpu.memory_space<vmem>>
    %dma_start3A_166 = arith.constant 0 : i32
    %dma_start3A_167 = arith.constant 0 : i32
    %dma_start3A_168 = tpu.memref_slice %arg3[%dma_start3A_166, %dma_start3A_167] : memref<49408x1024xf32, #tpu.memory_space<hbm>> -> memref<49408x1024xf32, #tpu.memory_space<hbm>>
    tpu.enqueue_indirect_dma source(%dma_start3A_168 : memref<49408x1024xf32, #tpu.memory_space<hbm>>) target(%dma_start3A_163 : memref<56x1024xf32, #tpu.memory_space<vmem>>) offsets(%dma_start3A_165 : memref<56xi32, #tpu.memory_space<vmem>>) semaphore(%arg9 : memref<!tpu.dma_semaphore, #tpu.memory_space<semaphore_mem>>)
    %dma_wait3A_169 = arith.constant 0 : i32
    %dma_wait3A_170 = arith.constant 0 : i32
    %dma_wait3A_171 = tpu.memref_slice %arg6[%dma_wait3A_169, %dma_wait3A_170] : memref<56x1024xf32, #tpu.memory_space<vmem>> -> memref<56x1024xf32, #tpu.memory_space<vmem>>
    %dma_wait3A_172 = arith.constant 224 : i32
    %dma_wait3A_173 = tpu.memref_slice %arg5[%dma_wait3A_172] : memref<616xi32, #tpu.memory_space<vmem>> -> memref<56xi32, #tpu.memory_space<vmem>>
    %dma_wait3A_174 = arith.constant 0 : i32
    %dma_wait3A_175 = arith.constant 0 : i32
    %dma_wait3A_176 = tpu.memref_slice %arg3[%dma_wait3A_174, %dma_wait3A_175] : memref<49408x1024xf32, #tpu.memory_space<hbm>> -> memref<49408x1024xf32, #tpu.memory_space<hbm>>
    tpu.wait_indirect_dma semaphore(%arg8 : memref<!tpu.dma_semaphore, #tpu.memory_space<semaphore_mem>>) src(%dma_wait3A_176 : memref<49408x1024xf32, #tpu.memory_space<hbm>>) dst(%dma_wait3A_171 : memref<56x1024xf32, #tpu.memory_space<vmem>>)
    %add3A_177 = arith.constant 224 : i32
    %add3A_178 = arith.addi %mul3A_2, %add3A_177 : i32
    %dma_start3A_179 = arith.constant 0 : i32
    %dma_start3A_180 = arith.constant 0 : i32
    %dma_start3A_181 = tpu.memref_slice %arg6[%dma_start3A_179, %dma_start3A_180] : memref<56x1024xf32, #tpu.memory_space<vmem>> -> memref<56x1024xf32, #tpu.memory_space<vmem>>
    %dma_start3A_182 = arith.constant 0 : i32
    %dma_start3A_183 = tpu.memref_slice %arg4[%add3A_178, %dma_start3A_182] : memref<19712x1024xf32, #tpu.memory_space<hbm>> -> memref<56x1024xf32, #tpu.memory_space<hbm>>
    %dma_start3A_184 = arith.constant 0 : i32
    %dma_start3A_185 = tpu.memref_slice %arg4[%add3A_178, %dma_start3A_184] : memref<19712x1024xf32, #tpu.memory_space<hbm>> -> memref<56x1024xf32, #tpu.memory_space<hbm>>
    %dma_start3A_186 = arith.constant 0 : i32
    %dma_start3A_187 = arith.constant 0 : i32
    %dma_start3A_188 = tpu.memref_slice %arg6[%dma_start3A_186, %dma_start3A_187] : memref<56x1024xf32, #tpu.memory_space<vmem>> -> memref<56x1024xf32, #tpu.memory_space<vmem>>
    tpu.enqueue_dma source(%dma_start3A_188 : memref<56x1024xf32, #tpu.memory_space<vmem>>) target(%dma_start3A_185 : memref<56x1024xf32, #tpu.memory_space<hbm>>) target_semaphore(%arg10 : memref<!tpu.dma_semaphore, #tpu.memory_space<semaphore_mem>>)
    %dma_wait3A_189 = arith.constant 0 : i32
    %dma_wait3A_190 = arith.constant 0 : i32
    %dma_wait3A_191 = tpu.memref_slice %arg6[%dma_wait3A_189, %dma_wait3A_190] : memref<56x1024xf32, #tpu.memory_space<vmem>> -> memref<56x1024xf32, #tpu.memory_space<vmem>>
    %dma_wait3A_192 = arith.constant 0 : i32
    %dma_wait3A_193 = tpu.memref_slice %arg4[%add3A_178, %dma_wait3A_192] : memref<19712x1024xf32, #tpu.memory_space<hbm>> -> memref<56x1024xf32, #tpu.memory_space<hbm>>
    %dma_wait3A_194 = arith.constant 0 : i32
    %dma_wait3A_195 = tpu.memref_slice %arg4[%add3A_178, %dma_wait3A_194] : memref<19712x1024xf32, #tpu.memory_space<hbm>> -> memref<56x1024xf32, #tpu.memory_space<hbm>>
    %dma_wait3A_196 = arith.constant 0 : i32
    %dma_wait3A_197 = arith.constant 0 : i32
    %dma_wait3A_198 = tpu.memref_slice %arg6[%dma_wait3A_196, %dma_wait3A_197] : memref<56x1024xf32, #tpu.memory_space<vmem>> -> memref<56x1024xf32, #tpu.memory_space<vmem>>
    tpu.wait_dma2 semaphore(%arg10 : memref<!tpu.dma_semaphore, #tpu.memory_space<semaphore_mem>>) src(%dma_wait3A_198 : memref<56x1024xf32, #tpu.memory_space<vmem>>) dst(%dma_wait3A_195 : memref<56x1024xf32, #tpu.memory_space<hbm>>)
    %dma_start3A_199 = arith.constant 0 : i32
    %dma_start3A_200 = arith.constant 0 : i32
    %dma_start3A_201 = tpu.memref_slice %arg6[%dma_start3A_199, %dma_start3A_200] : memref<56x1024xf32, #tpu.memory_space<vmem>> -> memref<56x1024xf32, #tpu.memory_space<vmem>>
    %dma_start3A_202 = arith.constant 336 : i32
    %dma_start3A_203 = tpu.memref_slice %arg5[%dma_start3A_202] : memref<616xi32, #tpu.memory_space<vmem>> -> memref<56xi32, #tpu.memory_space<vmem>>
    %dma_start3A_204 = arith.constant 0 : i32
    %dma_start3A_205 = arith.constant 0 : i32
    %dma_start3A_206 = tpu.memref_slice %arg3[%dma_start3A_204, %dma_start3A_205] : memref<49408x1024xf32, #tpu.memory_space<hbm>> -> memref<49408x1024xf32, #tpu.memory_space<hbm>>
    tpu.enqueue_indirect_dma source(%dma_start3A_206 : memref<49408x1024xf32, #tpu.memory_space<hbm>>) target(%dma_start3A_201 : memref<56x1024xf32, #tpu.memory_space<vmem>>) offsets(%dma_start3A_203 : memref<56xi32, #tpu.memory_space<vmem>>) semaphore(%arg8 : memref<!tpu.dma_semaphore, #tpu.memory_space<semaphore_mem>>)
    %dma_wait3A_207 = arith.constant 0 : i32
    %dma_wait3A_208 = arith.constant 0 : i32
    %dma_wait3A_209 = tpu.memref_slice %arg7[%dma_wait3A_207, %dma_wait3A_208] : memref<56x1024xf32, #tpu.memory_space<vmem>> -> memref<56x1024xf32, #tpu.memory_space<vmem>>
    %dma_wait3A_210 = arith.constant 280 : i32
    %dma_wait3A_211 = tpu.memref_slice %arg5[%dma_wait3A_210] : memref<616xi32, #tpu.memory_space<vmem>> -> memref<56xi32, #tpu.memory_space<vmem>>
    %dma_wait3A_212 = arith.constant 0 : i32
    %dma_wait3A_213 = arith.constant 0 : i32
    %dma_wait3A_214 = tpu.memref_slice %arg3[%dma_wait3A_212, %dma_wait3A_213] : memref<49408x1024xf32, #tpu.memory_space<hbm>> -> memref<49408x1024xf32, #tpu.memory_space<hbm>>
    tpu.wait_indirect_dma semaphore(%arg9 : memref<!tpu.dma_semaphore, #tpu.memory_space<semaphore_mem>>) src(%dma_wait3A_214 : memref<49408x1024xf32, #tpu.memory_space<hbm>>) dst(%dma_wait3A_209 : memref<56x1024xf32, #tpu.memory_space<vmem>>)
    %add3A_215 = arith.constant 280 : i32
    %add3A_216 = arith.addi %mul3A_2, %add3A_215 : i32
    %dma_start3A_217 = arith.constant 0 : i32
    %dma_start3A_218 = arith.constant 0 : i32
    %dma_start3A_219 = tpu.memref_slice %arg7[%dma_start3A_217, %dma_start3A_218] : memref<56x1024xf32, #tpu.memory_space<vmem>> -> memref<56x1024xf32, #tpu.memory_space<vmem>>
    %dma_start3A_220 = arith.constant 0 : i32
    %dma_start3A_221 = tpu.memref_slice %arg4[%add3A_216, %dma_start3A_220] : memref<19712x1024xf32, #tpu.memory_space<hbm>> -> memref<56x1024xf32, #tpu.memory_space<hbm>>
    %dma_start3A_222 = arith.constant 0 : i32
    %dma_start3A_223 = tpu.memref_slice %arg4[%add3A_216, %dma_start3A_222] : memref<19712x1024xf32, #tpu.memory_space<hbm>> -> memref<56x1024xf32, #tpu.memory_space<hbm>>
    %dma_start3A_224 = arith.constant 0 : i32
    %dma_start3A_225 = arith.constant 0 : i32
    %dma_start3A_226 = tpu.memref_slice %arg7[%dma_start3A_224, %dma_start3A_225] : memref<56x1024xf32, #tpu.memory_space<vmem>> -> memref<56x1024xf32, #tpu.memory_space<vmem>>
    tpu.enqueue_dma source(%dma_start3A_226 : memref<56x1024xf32, #tpu.memory_space<vmem>>) target(%dma_start3A_223 : memref<56x1024xf32, #tpu.memory_space<hbm>>) target_semaphore(%arg11 : memref<!tpu.dma_semaphore, #tpu.memory_space<semaphore_mem>>)
    %dma_wait3A_227 = arith.constant 0 : i32
    %dma_wait3A_228 = arith.constant 0 : i32
    %dma_wait3A_229 = tpu.memref_slice %arg7[%dma_wait3A_227, %dma_wait3A_228] : memref<56x1024xf32, #tpu.memory_space<vmem>> -> memref<56x1024xf32, #tpu.memory_space<vmem>>
    %dma_wait3A_230 = arith.constant 0 : i32
    %dma_wait3A_231 = tpu.memref_slice %arg4[%add3A_216, %dma_wait3A_230] : memref<19712x1024xf32, #tpu.memory_space<hbm>> -> memref<56x1024xf32, #tpu.memory_space<hbm>>
    %dma_wait3A_232 = arith.constant 0 : i32
    %dma_wait3A_233 = tpu.memref_slice %arg4[%add3A_216, %dma_wait3A_232] : memref<19712x1024xf32, #tpu.memory_space<hbm>> -> memref<56x1024xf32, #tpu.memory_space<hbm>>
    %dma_wait3A_234 = arith.constant 0 : i32
    %dma_wait3A_235 = arith.constant 0 : i32
    %dma_wait3A_236 = tpu.memref_slice %arg7[%dma_wait3A_234, %dma_wait3A_235] : memref<56x1024xf32, #tpu.memory_space<vmem>> -> memref<56x1024xf32, #tpu.memory_space<vmem>>
    tpu.wait_dma2 semaphore(%arg11 : memref<!tpu.dma_semaphore, #tpu.memory_space<semaphore_mem>>) src(%dma_wait3A_236 : memref<56x1024xf32, #tpu.memory_space<vmem>>) dst(%dma_wait3A_233 : memref<56x1024xf32, #tpu.memory_space<hbm>>)
    %dma_start3A_237 = arith.constant 0 : i32
    %dma_start3A_238 = arith.constant 0 : i32
    %dma_start3A_239 = tpu.memref_slice %arg7[%dma_start3A_237, %dma_start3A_238] : memref<56x1024xf32, #tpu.memory_space<vmem>> -> memref<56x1024xf32, #tpu.memory_space<vmem>>
    %dma_start3A_240 = arith.constant 392 : i32
    %dma_start3A_241 = tpu.memref_slice %arg5[%dma_start3A_240] : memref<616xi32, #tpu.memory_space<vmem>> -> memref<56xi32, #tpu.memory_space<vmem>>
    %dma_start3A_242 = arith.constant 0 : i32
    %dma_start3A_243 = arith.constant 0 : i32
    %dma_start3A_244 = tpu.memref_slice %arg3[%dma_start3A_242, %dma_start3A_243] : memref<49408x1024xf32, #tpu.memory_space<hbm>> -> memref<49408x1024xf32, #tpu.memory_space<hbm>>
    tpu.enqueue_indirect_dma source(%dma_start3A_244 : memref<49408x1024xf32, #tpu.memory_space<hbm>>) target(%dma_start3A_239 : memref<56x1024xf32, #tpu.memory_space<vmem>>) offsets(%dma_start3A_241 : memref<56xi32, #tpu.memory_space<vmem>>) semaphore(%arg9 : memref<!tpu.dma_semaphore, #tpu.memory_space<semaphore_mem>>)
    %dma_wait3A_245 = arith.constant 0 : i32
    %dma_wait3A_246 = arith.constant 0 : i32
    %dma_wait3A_247 = tpu.memref_slice %arg6[%dma_wait3A_245, %dma_wait3A_246] : memref<56x1024xf32, #tpu.memory_space<vmem>> -> memref<56x1024xf32, #tpu.memory_space<vmem>>
    %dma_wait3A_248 = arith.constant 336 : i32
    %dma_wait3A_249 = tpu.memref_slice %arg5[%dma_wait3A_248] : memref<616xi32, #tpu.memory_space<vmem>> -> memref<56xi32, #tpu.memory_space<vmem>>
    %dma_wait3A_250 = arith.constant 0 : i32
    %dma_wait3A_251 = arith.constant 0 : i32
    %dma_wait3A_252 = tpu.memref_slice %arg3[%dma_wait3A_250, %dma_wait3A_251] : memref<49408x1024xf32, #tpu.memory_space<hbm>> -> memref<49408x1024xf32, #tpu.memory_space<hbm>>
    tpu.wait_indirect_dma semaphore(%arg8 : memref<!tpu.dma_semaphore, #tpu.memory_space<semaphore_mem>>) src(%dma_wait3A_252 : memref<49408x1024xf32, #tpu.memory_space<hbm>>) dst(%dma_wait3A_247 : memref<56x1024xf32, #tpu.memory_space<vmem>>)
    %add3A_253 = arith.constant 336 : i32
    %add3A_254 = arith.addi %mul3A_2, %add3A_253 : i32
    %dma_start3A_255 = arith.constant 0 : i32
    %dma_start3A_256 = arith.constant 0 : i32
    %dma_start3A_257 = tpu.memref_slice %arg6[%dma_start3A_255, %dma_start3A_256] : memref<56x1024xf32, #tpu.memory_space<vmem>> -> memref<56x1024xf32, #tpu.memory_space<vmem>>
    %dma_start3A_258 = arith.constant 0 : i32
    %dma_start3A_259 = tpu.memref_slice %arg4[%add3A_254, %dma_start3A_258] : memref<19712x1024xf32, #tpu.memory_space<hbm>> -> memref<56x1024xf32, #tpu.memory_space<hbm>>
    %dma_start3A_260 = arith.constant 0 : i32
    %dma_start3A_261 = tpu.memref_slice %arg4[%add3A_254, %dma_start3A_260] : memref<19712x1024xf32, #tpu.memory_space<hbm>> -> memref<56x1024xf32, #tpu.memory_space<hbm>>
    %dma_start3A_262 = arith.constant 0 : i32
    %dma_start3A_263 = arith.constant 0 : i32
    %dma_start3A_264 = tpu.memref_slice %arg6[%dma_start3A_262, %dma_start3A_263] : memref<56x1024xf32, #tpu.memory_space<vmem>> -> memref<56x1024xf32, #tpu.memory_space<vmem>>
    tpu.enqueue_dma source(%dma_start3A_264 : memref<56x1024xf32, #tpu.memory_space<vmem>>) target(%dma_start3A_261 : memref<56x1024xf32, #tpu.memory_space<hbm>>) target_semaphore(%arg10 : memref<!tpu.dma_semaphore, #tpu.memory_space<semaphore_mem>>)
    %dma_wait3A_265 = arith.constant 0 : i32
    %dma_wait3A_266 = arith.constant 0 : i32
    %dma_wait3A_267 = tpu.memref_slice %arg6[%dma_wait3A_265, %dma_wait3A_266] : memref<56x1024xf32, #tpu.memory_space<vmem>> -> memref<56x1024xf32, #tpu.memory_space<vmem>>
    %dma_wait3A_268 = arith.constant 0 : i32
    %dma_wait3A_269 = tpu.memref_slice %arg4[%add3A_254, %dma_wait3A_268] : memref<19712x1024xf32, #tpu.memory_space<hbm>> -> memref<56x1024xf32, #tpu.memory_space<hbm>>
    %dma_wait3A_270 = arith.constant 0 : i32
    %dma_wait3A_271 = tpu.memref_slice %arg4[%add3A_254, %dma_wait3A_270] : memref<19712x1024xf32, #tpu.memory_space<hbm>> -> memref<56x1024xf32, #tpu.memory_space<hbm>>
    %dma_wait3A_272 = arith.constant 0 : i32
    %dma_wait3A_273 = arith.constant 0 : i32
    %dma_wait3A_274 = tpu.memref_slice %arg6[%dma_wait3A_272, %dma_wait3A_273] : memref<56x1024xf32, #tpu.memory_space<vmem>> -> memref<56x1024xf32, #tpu.memory_space<vmem>>
    tpu.wait_dma2 semaphore(%arg10 : memref<!tpu.dma_semaphore, #tpu.memory_space<semaphore_mem>>) src(%dma_wait3A_274 : memref<56x1024xf32, #tpu.memory_space<vmem>>) dst(%dma_wait3A_271 : memref<56x1024xf32, #tpu.memory_space<hbm>>)
    %dma_start3A_275 = arith.constant 0 : i32
    %dma_start3A_276 = arith.constant 0 : i32
    %dma_start3A_277 = tpu.memref_slice %arg6[%dma_start3A_275, %dma_start3A_276] : memref<56x1024xf32, #tpu.memory_space<vmem>> -> memref<56x1024xf32, #tpu.memory_space<vmem>>
    %dma_start3A_278 = arith.constant 448 : i32
    %dma_start3A_279 = tpu.memref_slice %arg5[%dma_start3A_278] : memref<616xi32, #tpu.memory_space<vmem>> -> memref<56xi32, #tpu.memory_space<vmem>>
    %dma_start3A_280 = arith.constant 0 : i32
    %dma_start3A_281 = arith.constant 0 : i32
    %dma_start3A_282 = tpu.memref_slice %arg3[%dma_start3A_280, %dma_start3A_281] : memref<49408x1024xf32, #tpu.memory_space<hbm>> -> memref<49408x1024xf32, #tpu.memory_space<hbm>>
    tpu.enqueue_indirect_dma source(%dma_start3A_282 : memref<49408x1024xf32, #tpu.memory_space<hbm>>) target(%dma_start3A_277 : memref<56x1024xf32, #tpu.memory_space<vmem>>) offsets(%dma_start3A_279 : memref<56xi32, #tpu.memory_space<vmem>>) semaphore(%arg8 : memref<!tpu.dma_semaphore, #tpu.memory_space<semaphore_mem>>)
    %dma_wait3A_283 = arith.constant 0 : i32
    %dma_wait3A_284 = arith.constant 0 : i32
    %dma_wait3A_285 = tpu.memref_slice %arg7[%dma_wait3A_283, %dma_wait3A_284] : memref<56x1024xf32, #tpu.memory_space<vmem>> -> memref<56x1024xf32, #tpu.memory_space<vmem>>
    %dma_wait3A_286 = arith.constant 392 : i32
    %dma_wait3A_287 = tpu.memref_slice %arg5[%dma_wait3A_286] : memref<616xi32, #tpu.memory_space<vmem>> -> memref<56xi32, #tpu.memory_space<vmem>>
    %dma_wait3A_288 = arith.constant 0 : i32
    %dma_wait3A_289 = arith.constant 0 : i32
    %dma_wait3A_290 = tpu.memref_slice %arg3[%dma_wait3A_288, %dma_wait3A_289] : memref<49408x1024xf32, #tpu.memory_space<hbm>> -> memref<49408x1024xf32, #tpu.memory_space<hbm>>
    tpu.wait_indirect_dma semaphore(%arg9 : memref<!tpu.dma_semaphore, #tpu.memory_space<semaphore_mem>>) src(%dma_wait3A_290 : memref<49408x1024xf32, #tpu.memory_space<hbm>>) dst(%dma_wait3A_285 : memref<56x1024xf32, #tpu.memory_space<vmem>>)
    %add3A_291 = arith.constant 392 : i32
    %add3A_292 = arith.addi %mul3A_2, %add3A_291 : i32
    %dma_start3A_293 = arith.constant 0 : i32
    %dma_start3A_294 = arith.constant 0 : i32
    %dma_start3A_295 = tpu.memref_slice %arg7[%dma_start3A_293, %dma_start3A_294] : memref<56x1024xf32, #tpu.memory_space<vmem>> -> memref<56x1024xf32, #tpu.memory_space<vmem>>
    %dma_start3A_296 = arith.constant 0 : i32
    %dma_start3A_297 = tpu.memref_slice %arg4[%add3A_292, %dma_start3A_296] : memref<19712x1024xf32, #tpu.memory_space<hbm>> -> memref<56x1024xf32, #tpu.memory_space<hbm>>
    %dma_start3A_298 = arith.constant 0 : i32
    %dma_start3A_299 = tpu.memref_slice %arg4[%add3A_292, %dma_start3A_298] : memref<19712x1024xf32, #tpu.memory_space<hbm>> -> memref<56x1024xf32, #tpu.memory_space<hbm>>
    %dma_start3A_300 = arith.constant 0 : i32
    %dma_start3A_301 = arith.constant 0 : i32
    %dma_start3A_302 = tpu.memref_slice %arg7[%dma_start3A_300, %dma_start3A_301] : memref<56x1024xf32, #tpu.memory_space<vmem>> -> memref<56x1024xf32, #tpu.memory_space<vmem>>
    tpu.enqueue_dma source(%dma_start3A_302 : memref<56x1024xf32, #tpu.memory_space<vmem>>) target(%dma_start3A_299 : memref<56x1024xf32, #tpu.memory_space<hbm>>) target_semaphore(%arg11 : memref<!tpu.dma_semaphore, #tpu.memory_space<semaphore_mem>>)
    %dma_wait3A_303 = arith.constant 0 : i32
    %dma_wait3A_304 = arith.constant 0 : i32
    %dma_wait3A_305 = tpu.memref_slice %arg7[%dma_wait3A_303, %dma_wait3A_304] : memref<56x1024xf32, #tpu.memory_space<vmem>> -> memref<56x1024xf32, #tpu.memory_space<vmem>>
    %dma_wait3A_306 = arith.constant 0 : i32
    %dma_wait3A_307 = tpu.memref_slice %arg4[%add3A_292, %dma_wait3A_306] : memref<19712x1024xf32, #tpu.memory_space<hbm>> -> memref<56x1024xf32, #tpu.memory_space<hbm>>
    %dma_wait3A_308 = arith.constant 0 : i32
    %dma_wait3A_309 = tpu.memref_slice %arg4[%add3A_292, %dma_wait3A_308] : memref<19712x1024xf32, #tpu.memory_space<hbm>> -> memref<56x1024xf32, #tpu.memory_space<hbm>>
    %dma_wait3A_310 = arith.constant 0 : i32
    %dma_wait3A_311 = arith.constant 0 : i32
    %dma_wait3A_312 = tpu.memref_slice %arg7[%dma_wait3A_310, %dma_wait3A_311] : memref<56x1024xf32, #tpu.memory_space<vmem>> -> memref<56x1024xf32, #tpu.memory_space<vmem>>
    tpu.wait_dma2 semaphore(%arg11 : memref<!tpu.dma_semaphore, #tpu.memory_space<semaphore_mem>>) src(%dma_wait3A_312 : memref<56x1024xf32, #tpu.memory_space<vmem>>) dst(%dma_wait3A_309 : memref<56x1024xf32, #tpu.memory_space<hbm>>)
    %dma_start3A_313 = arith.constant 0 : i32
    %dma_start3A_314 = arith.constant 0 : i32
    %dma_start3A_315 = tpu.memref_slice %arg7[%dma_start3A_313, %dma_start3A_314] : memref<56x1024xf32, #tpu.memory_space<vmem>> -> memref<56x1024xf32, #tpu.memory_space<vmem>>
    %dma_start3A_316 = arith.constant 504 : i32
    %dma_start3A_317 = tpu.memref_slice %arg5[%dma_start3A_316] : memref<616xi32, #tpu.memory_space<vmem>> -> memref<56xi32, #tpu.memory_space<vmem>>
    %dma_start3A_318 = arith.constant 0 : i32
    %dma_start3A_319 = arith.constant 0 : i32
    %dma_start3A_320 = tpu.memref_slice %arg3[%dma_start3A_318, %dma_start3A_319] : memref<49408x1024xf32, #tpu.memory_space<hbm>> -> memref<49408x1024xf32, #tpu.memory_space<hbm>>
    tpu.enqueue_indirect_dma source(%dma_start3A_320 : memref<49408x1024xf32, #tpu.memory_space<hbm>>) target(%dma_start3A_315 : memref<56x1024xf32, #tpu.memory_space<vmem>>) offsets(%dma_start3A_317 : memref<56xi32, #tpu.memory_space<vmem>>) semaphore(%arg9 : memref<!tpu.dma_semaphore, #tpu.memory_space<semaphore_mem>>)
    %dma_wait3A_321 = arith.constant 0 : i32
    %dma_wait3A_322 = arith.constant 0 : i32
    %dma_wait3A_323 = tpu.memref_slice %arg6[%dma_wait3A_321, %dma_wait3A_322] : memref<56x1024xf32, #tpu.memory_space<vmem>> -> memref<56x1024xf32, #tpu.memory_space<vmem>>
    %dma_wait3A_324 = arith.constant 448 : i32
    %dma_wait3A_325 = tpu.memref_slice %arg5[%dma_wait3A_324] : memref<616xi32, #tpu.memory_space<vmem>> -> memref<56xi32, #tpu.memory_space<vmem>>
    %dma_wait3A_326 = arith.constant 0 : i32
    %dma_wait3A_327 = arith.constant 0 : i32
    %dma_wait3A_328 = tpu.memref_slice %arg3[%dma_wait3A_326, %dma_wait3A_327] : memref<49408x1024xf32, #tpu.memory_space<hbm>> -> memref<49408x1024xf32, #tpu.memory_space<hbm>>
    tpu.wait_indirect_dma semaphore(%arg8 : memref<!tpu.dma_semaphore, #tpu.memory_space<semaphore_mem>>) src(%dma_wait3A_328 : memref<49408x1024xf32, #tpu.memory_space<hbm>>) dst(%dma_wait3A_323 : memref<56x1024xf32, #tpu.memory_space<vmem>>)
    %add3A_329 = arith.constant 448 : i32
    %add3A_330 = arith.addi %mul3A_2, %add3A_329 : i32
    %dma_start3A_331 = arith.constant 0 : i32
    %dma_start3A_332 = arith.constant 0 : i32
    %dma_start3A_333 = tpu.memref_slice %arg6[%dma_start3A_331, %dma_start3A_332] : memref<56x1024xf32, #tpu.memory_space<vmem>> -> memref<56x1024xf32, #tpu.memory_space<vmem>>
    %dma_start3A_334 = arith.constant 0 : i32
    %dma_start3A_335 = tpu.memref_slice %arg4[%add3A_330, %dma_start3A_334] : memref<19712x1024xf32, #tpu.memory_space<hbm>> -> memref<56x1024xf32, #tpu.memory_space<hbm>>
    %dma_start3A_336 = arith.constant 0 : i32
    %dma_start3A_337 = tpu.memref_slice %arg4[%add3A_330, %dma_start3A_336] : memref<19712x1024xf32, #tpu.memory_space<hbm>> -> memref<56x1024xf32, #tpu.memory_space<hbm>>
    %dma_start3A_338 = arith.constant 0 : i32
    %dma_start3A_339 = arith.constant 0 : i32
    %dma_start3A_340 = tpu.memref_slice %arg6[%dma_start3A_338, %dma_start3A_339] : memref<56x1024xf32, #tpu.memory_space<vmem>> -> memref<56x1024xf32, #tpu.memory_space<vmem>>
    tpu.enqueue_dma source(%dma_start3A_340 : memref<56x1024xf32, #tpu.memory_space<vmem>>) target(%dma_start3A_337 : memref<56x1024xf32, #tpu.memory_space<hbm>>) target_semaphore(%arg10 : memref<!tpu.dma_semaphore, #tpu.memory_space<semaphore_mem>>)
    %dma_wait3A_341 = arith.constant 0 : i32
    %dma_wait3A_342 = arith.constant 0 : i32
    %dma_wait3A_343 = tpu.memref_slice %arg6[%dma_wait3A_341, %dma_wait3A_342] : memref<56x1024xf32, #tpu.memory_space<vmem>> -> memref<56x1024xf32, #tpu.memory_space<vmem>>
    %dma_wait3A_344 = arith.constant 0 : i32
    %dma_wait3A_345 = tpu.memref_slice %arg4[%add3A_330, %dma_wait3A_344] : memref<19712x1024xf32, #tpu.memory_space<hbm>> -> memref<56x1024xf32, #tpu.memory_space<hbm>>
    %dma_wait3A_346 = arith.constant 0 : i32
    %dma_wait3A_347 = tpu.memref_slice %arg4[%add3A_330, %dma_wait3A_346] : memref<19712x1024xf32, #tpu.memory_space<hbm>> -> memref<56x1024xf32, #tpu.memory_space<hbm>>
    %dma_wait3A_348 = arith.constant 0 : i32
    %dma_wait3A_349 = arith.constant 0 : i32
    %dma_wait3A_350 = tpu.memref_slice %arg6[%dma_wait3A_348, %dma_wait3A_349] : memref<56x1024xf32, #tpu.memory_space<vmem>> -> memref<56x1024xf32, #tpu.memory_space<vmem>>
    tpu.wait_dma2 semaphore(%arg10 : memref<!tpu.dma_semaphore, #tpu.memory_space<semaphore_mem>>) src(%dma_wait3A_350 : memref<56x1024xf32, #tpu.memory_space<vmem>>) dst(%dma_wait3A_347 : memref<56x1024xf32, #tpu.memory_space<hbm>>)
    %dma_start3A_351 = arith.constant 0 : i32
    %dma_start3A_352 = arith.constant 0 : i32
    %dma_start3A_353 = tpu.memref_slice %arg6[%dma_start3A_351, %dma_start3A_352] : memref<56x1024xf32, #tpu.memory_space<vmem>> -> memref<56x1024xf32, #tpu.memory_space<vmem>>
    %dma_start3A_354 = arith.constant 560 : i32
    %dma_start3A_355 = tpu.memref_slice %arg5[%dma_start3A_354] : memref<616xi32, #tpu.memory_space<vmem>> -> memref<56xi32, #tpu.memory_space<vmem>>
    %dma_start3A_356 = arith.constant 0 : i32
    %dma_start3A_357 = arith.constant 0 : i32
    %dma_start3A_358 = tpu.memref_slice %arg3[%dma_start3A_356, %dma_start3A_357] : memref<49408x1024xf32, #tpu.memory_space<hbm>> -> memref<49408x1024xf32, #tpu.memory_space<hbm>>
    tpu.enqueue_indirect_dma source(%dma_start3A_358 : memref<49408x1024xf32, #tpu.memory_space<hbm>>) target(%dma_start3A_353 : memref<56x1024xf32, #tpu.memory_space<vmem>>) offsets(%dma_start3A_355 : memref<56xi32, #tpu.memory_space<vmem>>) semaphore(%arg8 : memref<!tpu.dma_semaphore, #tpu.memory_space<semaphore_mem>>)
    %dma_wait3A_359 = arith.constant 0 : i32
    %dma_wait3A_360 = arith.constant 0 : i32
    %dma_wait3A_361 = tpu.memref_slice %arg7[%dma_wait3A_359, %dma_wait3A_360] : memref<56x1024xf32, #tpu.memory_space<vmem>> -> memref<56x1024xf32, #tpu.memory_space<vmem>>
    %dma_wait3A_362 = arith.constant 504 : i32
    %dma_wait3A_363 = tpu.memref_slice %arg5[%dma_wait3A_362] : memref<616xi32, #tpu.memory_space<vmem>> -> memref<56xi32, #tpu.memory_space<vmem>>
    %dma_wait3A_364 = arith.constant 0 : i32
    %dma_wait3A_365 = arith.constant 0 : i32
    %dma_wait3A_366 = tpu.memref_slice %arg3[%dma_wait3A_364, %dma_wait3A_365] : memref<49408x1024xf32, #tpu.memory_space<hbm>> -> memref<49408x1024xf32, #tpu.memory_space<hbm>>
    tpu.wait_indirect_dma semaphore(%arg9 : memref<!tpu.dma_semaphore, #tpu.memory_space<semaphore_mem>>) src(%dma_wait3A_366 : memref<49408x1024xf32, #tpu.memory_space<hbm>>) dst(%dma_wait3A_361 : memref<56x1024xf32, #tpu.memory_space<vmem>>)
    %add3A_367 = arith.constant 504 : i32
    %add3A_368 = arith.addi %mul3A_2, %add3A_367 : i32
    %dma_start3A_369 = arith.constant 0 : i32
    %dma_start3A_370 = arith.constant 0 : i32
    %dma_start3A_371 = tpu.memref_slice %arg7[%dma_start3A_369, %dma_start3A_370] : memref<56x1024xf32, #tpu.memory_space<vmem>> -> memref<56x1024xf32, #tpu.memory_space<vmem>>
    %dma_start3A_372 = arith.constant 0 : i32
    %dma_start3A_373 = tpu.memref_slice %arg4[%add3A_368, %dma_start3A_372] : memref<19712x1024xf32, #tpu.memory_space<hbm>> -> memref<56x1024xf32, #tpu.memory_space<hbm>>
    %dma_start3A_374 = arith.constant 0 : i32
    %dma_start3A_375 = tpu.memref_slice %arg4[%add3A_368, %dma_start3A_374] : memref<19712x1024xf32, #tpu.memory_space<hbm>> -> memref<56x1024xf32, #tpu.memory_space<hbm>>
    %dma_start3A_376 = arith.constant 0 : i32
    %dma_start3A_377 = arith.constant 0 : i32
    %dma_start3A_378 = tpu.memref_slice %arg7[%dma_start3A_376, %dma_start3A_377] : memref<56x1024xf32, #tpu.memory_space<vmem>> -> memref<56x1024xf32, #tpu.memory_space<vmem>>
    tpu.enqueue_dma source(%dma_start3A_378 : memref<56x1024xf32, #tpu.memory_space<vmem>>) target(%dma_start3A_375 : memref<56x1024xf32, #tpu.memory_space<hbm>>) target_semaphore(%arg11 : memref<!tpu.dma_semaphore, #tpu.memory_space<semaphore_mem>>)
    %dma_wait3A_379 = arith.constant 0 : i32
    %dma_wait3A_380 = arith.constant 0 : i32
    %dma_wait3A_381 = tpu.memref_slice %arg6[%dma_wait3A_379, %dma_wait3A_380] : memref<56x1024xf32, #tpu.memory_space<vmem>> -> memref<56x1024xf32, #tpu.memory_space<vmem>>
    %dma_wait3A_382 = arith.constant 560 : i32
    %dma_wait3A_383 = tpu.memref_slice %arg5[%dma_wait3A_382] : memref<616xi32, #tpu.memory_space<vmem>> -> memref<56xi32, #tpu.memory_space<vmem>>
    %dma_wait3A_384 = arith.constant 0 : i32
    %dma_wait3A_385 = arith.constant 0 : i32
    %dma_wait3A_386 = tpu.memref_slice %arg3[%dma_wait3A_384, %dma_wait3A_385] : memref<49408x1024xf32, #tpu.memory_space<hbm>> -> memref<49408x1024xf32, #tpu.memory_space<hbm>>
    tpu.wait_indirect_dma semaphore(%arg8 : memref<!tpu.dma_semaphore, #tpu.memory_space<semaphore_mem>>) src(%dma_wait3A_386 : memref<49408x1024xf32, #tpu.memory_space<hbm>>) dst(%dma_wait3A_381 : memref<56x1024xf32, #tpu.memory_space<vmem>>)
    %add3A_387 = arith.constant 560 : i32
    %add3A_388 = arith.addi %mul3A_2, %add3A_387 : i32
    %dma_start3A_389 = arith.constant 0 : i32
    %dma_start3A_390 = arith.constant 0 : i32
    %dma_start3A_391 = tpu.memref_slice %arg6[%dma_start3A_389, %dma_start3A_390] : memref<56x1024xf32, #tpu.memory_space<vmem>> -> memref<56x1024xf32, #tpu.memory_space<vmem>>
    %dma_start3A_392 = arith.constant 0 : i32
    %dma_start3A_393 = tpu.memref_slice %arg4[%add3A_388, %dma_start3A_392] : memref<19712x1024xf32, #tpu.memory_space<hbm>> -> memref<56x1024xf32, #tpu.memory_space<hbm>>
    %dma_start3A_394 = arith.constant 0 : i32
    %dma_start3A_395 = tpu.memref_slice %arg4[%add3A_388, %dma_start3A_394] : memref<19712x1024xf32, #tpu.memory_space<hbm>> -> memref<56x1024xf32, #tpu.memory_space<hbm>>
    %dma_start3A_396 = arith.constant 0 : i32
    %dma_start3A_397 = arith.constant 0 : i32
    %dma_start3A_398 = tpu.memref_slice %arg6[%dma_start3A_396, %dma_start3A_397] : memref<56x1024xf32, #tpu.memory_space<vmem>> -> memref<56x1024xf32, #tpu.memory_space<vmem>>
    tpu.enqueue_dma source(%dma_start3A_398 : memref<56x1024xf32, #tpu.memory_space<vmem>>) target(%dma_start3A_395 : memref<56x1024xf32, #tpu.memory_space<hbm>>) target_semaphore(%arg10 : memref<!tpu.dma_semaphore, #tpu.memory_space<semaphore_mem>>)
    %dma_wait3A_399 = arith.constant 0 : i32
    %dma_wait3A_400 = arith.constant 0 : i32
    %dma_wait3A_401 = tpu.memref_slice %arg7[%dma_wait3A_399, %dma_wait3A_400] : memref<56x1024xf32, #tpu.memory_space<vmem>> -> memref<56x1024xf32, #tpu.memory_space<vmem>>
    %dma_wait3A_402 = arith.constant 0 : i32
    %dma_wait3A_403 = tpu.memref_slice %arg4[%add3A_368, %dma_wait3A_402] : memref<19712x1024xf32, #tpu.memory_space<hbm>> -> memref<56x1024xf32, #tpu.memory_space<hbm>>
    %dma_wait3A_404 = arith.constant 0 : i32
    %dma_wait3A_405 = tpu.memref_slice %arg4[%add3A_368, %dma_wait3A_404] : memref<19712x1024xf32, #tpu.memory_space<hbm>> -> memref<56x1024xf32, #tpu.memory_space<hbm>>
    %dma_wait3A_406 = arith.constant 0 : i32
    %dma_wait3A_407 = arith.constant 0 : i32
    %dma_wait3A_408 = tpu.memref_slice %arg7[%dma_wait3A_406, %dma_wait3A_407] : memref<56x1024xf32, #tpu.memory_space<vmem>> -> memref<56x1024xf32, #tpu.memory_space<vmem>>
    tpu.wait_dma2 semaphore(%arg11 : memref<!tpu.dma_semaphore, #tpu.memory_space<semaphore_mem>>) src(%dma_wait3A_408 : memref<56x1024xf32, #tpu.memory_space<vmem>>) dst(%dma_wait3A_405 : memref<56x1024xf32, #tpu.memory_space<hbm>>)
    %dma_wait3A_409 = arith.constant 0 : i32
    %dma_wait3A_410 = arith.constant 0 : i32
    %dma_wait3A_411 = tpu.memref_slice %arg6[%dma_wait3A_409, %dma_wait3A_410] : memref<56x1024xf32, #tpu.memory_space<vmem>> -> memref<56x1024xf32, #tpu.memory_space<vmem>>
    %dma_wait3A_412 = arith.constant 0 : i32
    %dma_wait3A_413 = tpu.memref_slice %arg4[%add3A_388, %dma_wait3A_412] : memref<19712x1024xf32, #tpu.memory_space<hbm>> -> memref<56x1024xf32, #tpu.memory_space<hbm>>
    %dma_wait3A_414 = arith.constant 0 : i32
    %dma_wait3A_415 = tpu.memref_slice %arg4[%add3A_388, %dma_wait3A_414] : memref<19712x1024xf32, #tpu.memory_space<hbm>> -> memref<56x1024xf32, #tpu.memory_space<hbm>>
    %dma_wait3A_416 = arith.constant 0 : i32
    %dma_wait3A_417 = arith.constant 0 : i32
    %dma_wait3A_418 = tpu.memref_slice %arg6[%dma_wait3A_416, %dma_wait3A_417] : memref<56x1024xf32, #tpu.memory_space<vmem>> -> memref<56x1024xf32, #tpu.memory_space<vmem>>
    tpu.wait_dma2 semaphore(%arg10 : memref<!tpu.dma_semaphore, #tpu.memory_space<semaphore_mem>>) src(%dma_wait3A_418 : memref<56x1024xf32, #tpu.memory_space<vmem>>) dst(%dma_wait3A_415 : memref<56x1024xf32, #tpu.memory_space<hbm>>)
    return
  }
}

#map = affine_map<(d0, d1) -> (0, 0)>
#map1 = affine_map<(d0, d1) -> (0, 0, 0)>
module attributes {stable_mosaic.version = 14 : i64} {
  func.func @new_body(%arg0: i32, %arg1: i32, %arg2: memref<16x1024xf32, #tpu.memory_space<hbm>>, %arg3: memref<32x4x16xi32, #tpu.memory_space<hbm>>, %arg4: memref<19712x1024xf32, #tpu.memory_space<hbm>>, %arg5: memref<19712x1024xf32, #tpu.memory_space<hbm>>, %arg6: memref<16x1024xf32, #tpu.memory_space<vmem>>, %arg7: memref<16xi32, #tpu.memory_space<vmem>>, %arg8: memref<16xi32, #tpu.memory_space<vmem>>, %arg9: memref<16xi32, #tpu.memory_space<vmem>>, %arg10: memref<16xi32, #tpu.memory_space<vmem>>, %arg11: memref<!tpu.dma_semaphore, #tpu.memory_space<semaphore_mem>>, %arg12: memref<!tpu.dma_semaphore, #tpu.memory_space<semaphore_mem>>, %arg13: memref<!tpu.dma_semaphore, #tpu.memory_space<semaphore_mem>>, %arg14: memref<!tpu.dma_semaphore, #tpu.memory_space<semaphore_mem>>, %arg15: memref<!tpu.dma_semaphore, #tpu.memory_space<semaphore_mem>>) attributes {dimension_semantics = [#tpu.dimension_semantics<core_parallel>, #tpu.dimension_semantics<subcore_parallel>], iteration_bounds = array<i64: 2, 16>, scalar_prefetch = 0 : i64, scratch_operands = 10 : i64, tpu.core_type = #tpu.core_type<sc_vector_subcore>, window_params = [{transform_indices = #map}, {transform_indices = #map1}, {transform_indices = #map}, {transform_indices = #map}]} {
    %mul3A = arith.constant 2 : i32
    %mul3A_0 = arith.muli %arg1, %mul3A : i32
    %add3A = arith.addi %mul3A_0, %arg0 : i32
    %dma_start3A = arith.constant 0 : i32
    %dma_start3A_1 = arith.constant 0 : i32
    %dma_start3A_2 = tpu.memref_slice %arg3[%add3A, %dma_start3A, %dma_start3A_1] : memref<32x4x16xi32, #tpu.memory_space<hbm>> -> memref<1x1x16xi32, #tpu.memory_space<hbm>>
    %dma_start3A_3 = tpu.memref_squeeze %dma_start3A_2 : memref<1x1x16xi32, #tpu.memory_space<hbm>> -> memref<16xi32, #tpu.memory_space<hbm>>
    %dma_start3A_4 = arith.constant 0 : i32
    %dma_start3A_5 = tpu.memref_slice %arg3[%add3A, %dma_start3A, %dma_start3A_4] : memref<32x4x16xi32, #tpu.memory_space<hbm>> -> memref<1x1x16xi32, #tpu.memory_space<hbm>>
    %dma_start3A_6 = tpu.memref_squeeze %dma_start3A_5 : memref<1x1x16xi32, #tpu.memory_space<hbm>> -> memref<16xi32, #tpu.memory_space<hbm>>
    tpu.enqueue_dma source(%dma_start3A_6 : memref<16xi32, #tpu.memory_space<hbm>>) target(%arg7 : memref<16xi32, #tpu.memory_space<vmem>>) target_semaphore(%arg11 : memref<!tpu.dma_semaphore, #tpu.memory_space<semaphore_mem>>)
    %dma_start3A_7 = arith.constant 1 : i32
    %dma_start3A_8 = arith.constant 0 : i32
    %dma_start3A_9 = tpu.memref_slice %arg3[%add3A, %dma_start3A_7, %dma_start3A_8] : memref<32x4x16xi32, #tpu.memory_space<hbm>> -> memref<1x1x16xi32, #tpu.memory_space<hbm>>
    %dma_start3A_10 = tpu.memref_squeeze %dma_start3A_9 : memref<1x1x16xi32, #tpu.memory_space<hbm>> -> memref<16xi32, #tpu.memory_space<hbm>>
    %dma_start3A_11 = arith.constant 0 : i32
    %dma_start3A_12 = tpu.memref_slice %arg3[%add3A, %dma_start3A_7, %dma_start3A_11] : memref<32x4x16xi32, #tpu.memory_space<hbm>> -> memref<1x1x16xi32, #tpu.memory_space<hbm>>
    %dma_start3A_13 = tpu.memref_squeeze %dma_start3A_12 : memref<1x1x16xi32, #tpu.memory_space<hbm>> -> memref<16xi32, #tpu.memory_space<hbm>>
    tpu.enqueue_dma source(%dma_start3A_13 : memref<16xi32, #tpu.memory_space<hbm>>) target(%arg8 : memref<16xi32, #tpu.memory_space<vmem>>) target_semaphore(%arg12 : memref<!tpu.dma_semaphore, #tpu.memory_space<semaphore_mem>>)
    %dma_start3A_14 = arith.constant 2 : i32
    %dma_start3A_15 = arith.constant 0 : i32
    %dma_start3A_16 = tpu.memref_slice %arg3[%add3A, %dma_start3A_14, %dma_start3A_15] : memref<32x4x16xi32, #tpu.memory_space<hbm>> -> memref<1x1x16xi32, #tpu.memory_space<hbm>>
    %dma_start3A_17 = tpu.memref_squeeze %dma_start3A_16 : memref<1x1x16xi32, #tpu.memory_space<hbm>> -> memref<16xi32, #tpu.memory_space<hbm>>
    %dma_start3A_18 = arith.constant 0 : i32
    %dma_start3A_19 = tpu.memref_slice %arg3[%add3A, %dma_start3A_14, %dma_start3A_18] : memref<32x4x16xi32, #tpu.memory_space<hbm>> -> memref<1x1x16xi32, #tpu.memory_space<hbm>>
    %dma_start3A_20 = tpu.memref_squeeze %dma_start3A_19 : memref<1x1x16xi32, #tpu.memory_space<hbm>> -> memref<16xi32, #tpu.memory_space<hbm>>
    tpu.enqueue_dma source(%dma_start3A_20 : memref<16xi32, #tpu.memory_space<hbm>>) target(%arg9 : memref<16xi32, #tpu.memory_space<vmem>>) target_semaphore(%arg13 : memref<!tpu.dma_semaphore, #tpu.memory_space<semaphore_mem>>)
    %dma_start3A_21 = arith.constant 3 : i32
    %dma_start3A_22 = arith.constant 0 : i32
    %dma_start3A_23 = tpu.memref_slice %arg3[%add3A, %dma_start3A_21, %dma_start3A_22] : memref<32x4x16xi32, #tpu.memory_space<hbm>> -> memref<1x1x16xi32, #tpu.memory_space<hbm>>
    %dma_start3A_24 = tpu.memref_squeeze %dma_start3A_23 : memref<1x1x16xi32, #tpu.memory_space<hbm>> -> memref<16xi32, #tpu.memory_space<hbm>>
    %dma_start3A_25 = arith.constant 0 : i32
    %dma_start3A_26 = tpu.memref_slice %arg3[%add3A, %dma_start3A_21, %dma_start3A_25] : memref<32x4x16xi32, #tpu.memory_space<hbm>> -> memref<1x1x16xi32, #tpu.memory_space<hbm>>
    %dma_start3A_27 = tpu.memref_squeeze %dma_start3A_26 : memref<1x1x16xi32, #tpu.memory_space<hbm>> -> memref<16xi32, #tpu.memory_space<hbm>>
    tpu.enqueue_dma source(%dma_start3A_27 : memref<16xi32, #tpu.memory_space<hbm>>) target(%arg10 : memref<16xi32, #tpu.memory_space<vmem>>) target_semaphore(%arg14 : memref<!tpu.dma_semaphore, #tpu.memory_space<semaphore_mem>>)
    "tpu.region"() ({
      %run_scoped3A = tpu.sem_alloc : memref<!tpu.dma_semaphore, #tpu.memory_space<semaphore_mem>>
      tpu.enqueue_dma source(%arg2 : memref<16x1024xf32, #tpu.memory_space<hbm>>) target(%arg6 : memref<16x1024xf32, #tpu.memory_space<vmem>>) target_semaphore(%run_scoped3A : memref<!tpu.dma_semaphore, #tpu.memory_space<semaphore_mem>>)
      tpu.wait_dma2 semaphore(%run_scoped3A : memref<!tpu.dma_semaphore, #tpu.memory_space<semaphore_mem>>) src(%arg2 : memref<16x1024xf32, #tpu.memory_space<hbm>>) dst(%arg6 : memref<16x1024xf32, #tpu.memory_space<vmem>>)
      tpu.yield
    }) : () -> ()
    %dma_wait3A = arith.constant 0 : i32
    %dma_wait3A_28 = arith.constant 0 : i32
    %dma_wait3A_29 = tpu.memref_slice %arg3[%add3A, %dma_wait3A, %dma_wait3A_28] : memref<32x4x16xi32, #tpu.memory_space<hbm>> -> memref<1x1x16xi32, #tpu.memory_space<hbm>>
    %dma_wait3A_30 = tpu.memref_squeeze %dma_wait3A_29 : memref<1x1x16xi32, #tpu.memory_space<hbm>> -> memref<16xi32, #tpu.memory_space<hbm>>
    %dma_wait3A_31 = arith.constant 0 : i32
    %dma_wait3A_32 = tpu.memref_slice %arg3[%add3A, %dma_wait3A, %dma_wait3A_31] : memref<32x4x16xi32, #tpu.memory_space<hbm>> -> memref<1x1x16xi32, #tpu.memory_space<hbm>>
    %dma_wait3A_33 = tpu.memref_squeeze %dma_wait3A_32 : memref<1x1x16xi32, #tpu.memory_space<hbm>> -> memref<16xi32, #tpu.memory_space<hbm>>
    tpu.wait_dma2 semaphore(%arg11 : memref<!tpu.dma_semaphore, #tpu.memory_space<semaphore_mem>>) src(%dma_wait3A_33 : memref<16xi32, #tpu.memory_space<hbm>>) dst(%arg7 : memref<16xi32, #tpu.memory_space<vmem>>)
    %dma_start3A_34 = arith.constant 0 : i32
    %dma_start3A_35 = arith.constant 0 : i32
    %dma_start3A_36 = tpu.memref_slice %arg4[%dma_start3A_34, %dma_start3A_35] : memref<19712x1024xf32, #tpu.memory_space<hbm>> -> memref<19712x1024xf32, #tpu.memory_space<hbm>>
    tpu.enqueue_indirect_dma source(%arg6 : memref<16x1024xf32, #tpu.memory_space<vmem>>) target(%dma_start3A_36 : memref<19712x1024xf32, #tpu.memory_space<hbm>>) offsets(%arg7 : memref<16xi32, #tpu.memory_space<vmem>>) semaphore(%arg15 : memref<!tpu.dma_semaphore, #tpu.memory_space<semaphore_mem>>)
    %dma_wait3A_37 = arith.constant 1 : i32
    %dma_wait3A_38 = arith.constant 0 : i32
    %dma_wait3A_39 = tpu.memref_slice %arg3[%add3A, %dma_wait3A_37, %dma_wait3A_38] : memref<32x4x16xi32, #tpu.memory_space<hbm>> -> memref<1x1x16xi32, #tpu.memory_space<hbm>>
    %dma_wait3A_40 = tpu.memref_squeeze %dma_wait3A_39 : memref<1x1x16xi32, #tpu.memory_space<hbm>> -> memref<16xi32, #tpu.memory_space<hbm>>
    %dma_wait3A_41 = arith.constant 0 : i32
    %dma_wait3A_42 = tpu.memref_slice %arg3[%add3A, %dma_wait3A_37, %dma_wait3A_41] : memref<32x4x16xi32, #tpu.memory_space<hbm>> -> memref<1x1x16xi32, #tpu.memory_space<hbm>>
    %dma_wait3A_43 = tpu.memref_squeeze %dma_wait3A_42 : memref<1x1x16xi32, #tpu.memory_space<hbm>> -> memref<16xi32, #tpu.memory_space<hbm>>
    tpu.wait_dma2 semaphore(%arg12 : memref<!tpu.dma_semaphore, #tpu.memory_space<semaphore_mem>>) src(%dma_wait3A_43 : memref<16xi32, #tpu.memory_space<hbm>>) dst(%arg8 : memref<16xi32, #tpu.memory_space<vmem>>)
    %dma_start3A_44 = arith.constant 0 : i32
    %dma_start3A_45 = arith.constant 0 : i32
    %dma_start3A_46 = tpu.memref_slice %arg4[%dma_start3A_44, %dma_start3A_45] : memref<19712x1024xf32, #tpu.memory_space<hbm>> -> memref<19712x1024xf32, #tpu.memory_space<hbm>>
    tpu.enqueue_indirect_dma source(%arg6 : memref<16x1024xf32, #tpu.memory_space<vmem>>) target(%dma_start3A_46 : memref<19712x1024xf32, #tpu.memory_space<hbm>>) offsets(%arg8 : memref<16xi32, #tpu.memory_space<vmem>>) semaphore(%arg15 : memref<!tpu.dma_semaphore, #tpu.memory_space<semaphore_mem>>)
    %dma_wait3A_47 = arith.constant 2 : i32
    %dma_wait3A_48 = arith.constant 0 : i32
    %dma_wait3A_49 = tpu.memref_slice %arg3[%add3A, %dma_wait3A_47, %dma_wait3A_48] : memref<32x4x16xi32, #tpu.memory_space<hbm>> -> memref<1x1x16xi32, #tpu.memory_space<hbm>>
    %dma_wait3A_50 = tpu.memref_squeeze %dma_wait3A_49 : memref<1x1x16xi32, #tpu.memory_space<hbm>> -> memref<16xi32, #tpu.memory_space<hbm>>
    %dma_wait3A_51 = arith.constant 0 : i32
    %dma_wait3A_52 = tpu.memref_slice %arg3[%add3A, %dma_wait3A_47, %dma_wait3A_51] : memref<32x4x16xi32, #tpu.memory_space<hbm>> -> memref<1x1x16xi32, #tpu.memory_space<hbm>>
    %dma_wait3A_53 = tpu.memref_squeeze %dma_wait3A_52 : memref<1x1x16xi32, #tpu.memory_space<hbm>> -> memref<16xi32, #tpu.memory_space<hbm>>
    tpu.wait_dma2 semaphore(%arg13 : memref<!tpu.dma_semaphore, #tpu.memory_space<semaphore_mem>>) src(%dma_wait3A_53 : memref<16xi32, #tpu.memory_space<hbm>>) dst(%arg9 : memref<16xi32, #tpu.memory_space<vmem>>)
    %dma_start3A_54 = arith.constant 0 : i32
    %dma_start3A_55 = arith.constant 0 : i32
    %dma_start3A_56 = tpu.memref_slice %arg4[%dma_start3A_54, %dma_start3A_55] : memref<19712x1024xf32, #tpu.memory_space<hbm>> -> memref<19712x1024xf32, #tpu.memory_space<hbm>>
    tpu.enqueue_indirect_dma source(%arg6 : memref<16x1024xf32, #tpu.memory_space<vmem>>) target(%dma_start3A_56 : memref<19712x1024xf32, #tpu.memory_space<hbm>>) offsets(%arg9 : memref<16xi32, #tpu.memory_space<vmem>>) semaphore(%arg15 : memref<!tpu.dma_semaphore, #tpu.memory_space<semaphore_mem>>)
    %dma_wait3A_57 = arith.constant 3 : i32
    %dma_wait3A_58 = arith.constant 0 : i32
    %dma_wait3A_59 = tpu.memref_slice %arg3[%add3A, %dma_wait3A_57, %dma_wait3A_58] : memref<32x4x16xi32, #tpu.memory_space<hbm>> -> memref<1x1x16xi32, #tpu.memory_space<hbm>>
    %dma_wait3A_60 = tpu.memref_squeeze %dma_wait3A_59 : memref<1x1x16xi32, #tpu.memory_space<hbm>> -> memref<16xi32, #tpu.memory_space<hbm>>
    %dma_wait3A_61 = arith.constant 0 : i32
    %dma_wait3A_62 = tpu.memref_slice %arg3[%add3A, %dma_wait3A_57, %dma_wait3A_61] : memref<32x4x16xi32, #tpu.memory_space<hbm>> -> memref<1x1x16xi32, #tpu.memory_space<hbm>>
    %dma_wait3A_63 = tpu.memref_squeeze %dma_wait3A_62 : memref<1x1x16xi32, #tpu.memory_space<hbm>> -> memref<16xi32, #tpu.memory_space<hbm>>
    tpu.wait_dma2 semaphore(%arg14 : memref<!tpu.dma_semaphore, #tpu.memory_space<semaphore_mem>>) src(%dma_wait3A_63 : memref<16xi32, #tpu.memory_space<hbm>>) dst(%arg10 : memref<16xi32, #tpu.memory_space<vmem>>)
    %dma_start3A_64 = arith.constant 0 : i32
    %dma_start3A_65 = arith.constant 0 : i32
    %dma_start3A_66 = tpu.memref_slice %arg4[%dma_start3A_64, %dma_start3A_65] : memref<19712x1024xf32, #tpu.memory_space<hbm>> -> memref<19712x1024xf32, #tpu.memory_space<hbm>>
    tpu.enqueue_indirect_dma source(%arg6 : memref<16x1024xf32, #tpu.memory_space<vmem>>) target(%dma_start3A_66 : memref<19712x1024xf32, #tpu.memory_space<hbm>>) offsets(%arg10 : memref<16xi32, #tpu.memory_space<vmem>>) semaphore(%arg15 : memref<!tpu.dma_semaphore, #tpu.memory_space<semaphore_mem>>)
    %dma_wait3A_67 = arith.constant 0 : i32
    %dma_wait3A_68 = arith.constant 0 : i32
    %dma_wait3A_69 = tpu.memref_slice %arg4[%dma_wait3A_67, %dma_wait3A_68] : memref<19712x1024xf32, #tpu.memory_space<hbm>> -> memref<19712x1024xf32, #tpu.memory_space<hbm>>
    tpu.wait_indirect_dma semaphore(%arg15 : memref<!tpu.dma_semaphore, #tpu.memory_space<semaphore_mem>>) src(%arg6 : memref<16x1024xf32, #tpu.memory_space<vmem>>) dst(%dma_wait3A_69 : memref<19712x1024xf32, #tpu.memory_space<hbm>>)
    %dma_wait3A_70 = arith.constant 0 : i32
    %dma_wait3A_71 = arith.constant 0 : i32
    %dma_wait3A_72 = tpu.memref_slice %arg4[%dma_wait3A_70, %dma_wait3A_71] : memref<19712x1024xf32, #tpu.memory_space<hbm>> -> memref<19712x1024xf32, #tpu.memory_space<hbm>>
    tpu.wait_indirect_dma semaphore(%arg15 : memref<!tpu.dma_semaphore, #tpu.memory_space<semaphore_mem>>) src(%arg6 : memref<16x1024xf32, #tpu.memory_space<vmem>>) dst(%dma_wait3A_72 : memref<19712x1024xf32, #tpu.memory_space<hbm>>)
    %dma_wait3A_73 = arith.constant 0 : i32
    %dma_wait3A_74 = arith.constant 0 : i32
    %dma_wait3A_75 = tpu.memref_slice %arg4[%dma_wait3A_73, %dma_wait3A_74] : memref<19712x1024xf32, #tpu.memory_space<hbm>> -> memref<19712x1024xf32, #tpu.memory_space<hbm>>
    tpu.wait_indirect_dma semaphore(%arg15 : memref<!tpu.dma_semaphore, #tpu.memory_space<semaphore_mem>>) src(%arg6 : memref<16x1024xf32, #tpu.memory_space<vmem>>) dst(%dma_wait3A_75 : memref<19712x1024xf32, #tpu.memory_space<hbm>>)
    %dma_wait3A_76 = arith.constant 0 : i32
    %dma_wait3A_77 = arith.constant 0 : i32
    %dma_wait3A_78 = tpu.memref_slice %arg4[%dma_wait3A_76, %dma_wait3A_77] : memref<19712x1024xf32, #tpu.memory_space<hbm>> -> memref<19712x1024xf32, #tpu.memory_space<hbm>>
    tpu.wait_indirect_dma semaphore(%arg15 : memref<!tpu.dma_semaphore, #tpu.memory_space<semaphore_mem>>) src(%arg6 : memref<16x1024xf32, #tpu.memory_space<vmem>>) dst(%dma_wait3A_78 : memref<19712x1024xf32, #tpu.memory_space<hbm>>)
    return
  }
}

</mosaic_0001>

<sc_bundles>
// kernel: kernel.4.cloned.1.call-start
scs
__scs_entry_jumppad:
0x0: {  	(pc) =	sbr.rel $0x88, $3  }
0x1: {  	(tag) =	ssettag $0x0;
	lr =	simm.s32 $0x1  }
0x2: {  	[smem:$0x3F9D] =	sst lr;
	_ =	strace $0xD0000000  }
0x3: {  	_ = 	snop  }
0x4: {  	_ = 	snop  }
0x5: {  	_ = 	snop  }
0x6: {  	_ = 	snop  }
0x7: {  	_ = 	snop  }
__scs_overlays_trampoline_lowered:
0x8: {  	[smem:$0x3FAC] =	sst s0  }
0x9: {  	[smem:$0x3FAD] =	sst s1  }
0xa: {  	[smem:$0x3FAE] =	sst s2  }
0xb: {  	[smem:$0x3FAF] =	sst s3  }
0xc: {  	[smem:$0x3FB0] =	sst s4  }
0xd: {  	[smem:$0x3FB1] =	sst s5  }
0xe: {  	[smem:$0x3FB2] =	sst s6  }
0xf: {  	[smem:$0x3FB3] =	sst s7  }
0x10: {  	[smem:$0x3FB4] =	sst s8  }
0x11: {  	[smem:$0x3FB5] =	sst s9;
	s0 =	simm.s32 @!p0 $0x0  }
0x12: {  	s1 =	sld [smem:$0x3F9B];
	s0 =	simm.s32 @p0 $0x1  }
0x13: {  	[smem:$0x3FB6] =	sst s0;
	s0 =	simm.s32 @!p1 $0x0  }
0x14: {  	s2 =	sld [smem:$0x3F9A];
	s0 =	simm.s32 @p1 $0x1  }
0x15: {  	[smem:$0x3FB7] =	sst s0;
	s0 =	simm.s32 @!p2 $0x0  }
0x16: {  	s3 =	sld [smem:$0x3FDB];
	s0 =	simm.s32 @p2 $0x1  }
0x17: {  	s4 =	simm.s32 $0x1BF5;
	[smem:$0x3FB9] =	sst s0  }
0x18: {  	s0 =	sld [smem:$0x3F9C];
	_ =	swait.ge [sflag:s4], $0x0  }
0x19: {  	s7 =	sld [smem:$0x3F9D]  }
0x1a: {  	s8 =	sadd.s32 $0xFFFFE003, lr  }
0x1b: {  	s9 =	sadd.s32 $0xFFFFFEF7, lr;
	s5 =	simm.s32 $0xFFFFFFFF;
	p2 =	slt.u32 s8, $0xFFFFF086  }
0x1c: {  	p1 =	slt.u32 s9, $0xF7A;
	s5 =	simm.s32 @!p2 $0x0  }
0x1d: {  	s5 =	simm.s32 @p1 $0x1;
	p0 =	seq.s32 s7, s2  }
0x1e: {  	s7 =	smul.u32 @!p0 $0xF7A, s2;
	p2 =	seq.s32 @!p0 s5, $0x0  }
0x1f: {  	s9 =	smul.u32 $0xF7A, s1;
	s8 =	simm.s32 @!p0 $0x1BF5;
	p2 =	por !p2, p0  }
0x20: {  	[sflag:s8] =	ssyncset.s32 @!p0 $0xFFFFF086;
	s6 =	sadd.s32 @!p0 s3, s7;
	s7 =	simm.s32 @!p0 $0x108  }
0x21: {  	s3 =	sadd.s32 s3, s9;
	s6 =	sadd.s32 @!p0 $0x88, s6;
	s7 =	simm.s32 @p2 $0x1082  }
0x22: {  	[simem:s7], [sflag:s8] =	dma.local @!p0 [hbm:s6], $0xF7A  }
0x23: {  	s9 =	sor.u32 $0xD0000000, s2;
	s6 =	simm.s32 $0x108;
	_ =	swait.ge @!p0 [sflag:s8], $0x0  }
0x24: {  	s3 =	sadd.s32 $0x88, s3;
	s6 =	simm.s32 @!p1 $0x1082;
	[sflag:s4] =	ssyncset.s32 $0xFFFFF086  }
0x25: {  	[simem:s6], [sflag:s4] =	dma.local [hbm:s3], $0xF7A  }
0x26: {  	[smem:$0x3F9D] =	sst s1;
	(tag) =	ssettag s2;
	_ =	strace s9  }
0x27: {  	s1 =	sld [smem:$0x3FAD]  }
0x28: {  	s2 =	sld [smem:$0x3FAE]  }
0x29: {  	s4 =	sld [smem:$0x3FB0]  }
0x2a: {  	p0 =	seq.s32 s5, $0x0;
	s5 =	sld [smem:$0x3FB1]  }
0x2b: {  	s6 =	sld [smem:$0x3FB2]  }
0x2c: {  	s7 =	sld [smem:$0x3FB3]  }
0x2d: {  	s3 =	simm.s32 $0x108;
	s8 =	sld [smem:$0x3FB4]  }
0x2e: {  	s3 =	simm.s32 @!p0 $0x1082;
	s9 =	sld [smem:$0x3FB5]  }
0x2f: {  	lr =	sadd.s32 s0, s3;
	s0 =	sld [smem:$0x3FAC]  }
0x30: {  	s3 =	sld [smem:$0x3FAF]  }
0x31: {  	[smem:$0x3FB8] =	sst s10  }
0x32: {  	s10 =	sld [smem:$0x3FB6];
	_ =	sdelay $0x3  }
0x33: {  	p0 =	seq.s32 s10, $0x1;
	s10 =	sld [smem:$0x3FB8];
	_ =	sdelay $0x3  }
0x34: {  	[smem:$0x3FB8] =	sst s10  }
0x35: {  	s10 =	sld [smem:$0x3FB7];
	_ =	sdelay $0x3  }
0x36: {  	p1 =	seq.s32 s10, $0x1;
	s10 =	sld [smem:$0x3FB8];
	_ =	sdelay $0x3  }
0x37: {  	[smem:$0x3FB8] =	sst s10  }
0x38: {  	s10 =	sld [smem:$0x3FB9]  }
0x39: {  	_ = 	snop;
	(pc) =	sbr.ind lr, $3  }
0x3a: {  	_ = 	snop  }
0x3b: {  	_ = 	snop  }
0x3c: {  	p2 =	seq.s32 s10, $0x1;
	s10 =	sld [smem:$0x3FB8]  }
0x3d: {  	_ =	shalt  }
0x3e: {  	_ =	shalt  }
0x3f: {  	_ =	shalt  }
0x40: {  	_ =	shalt  }
0x41: {  	_ =	shalt  }
0x42: {  	_ =	shalt  }
0x43: {  	_ =	shalt  }
0x44: {  	_ =	shalt  }
0x45: {  	_ =	shalt  }
0x46: {  	_ =	shalt  }
0x47: {  	_ =	shalt  }
0x48: {  	_ =	shalt  }
0x49: {  	_ =	shalt  }
0x4a: {  	_ =	shalt  }
0x4b: {  	_ =	shalt  }
0x4c: {  	_ =	shalt  }
0x4d: {  	_ =	shalt  }
0x4e: {  	_ =	shalt  }
0x4f: {  	_ =	shalt  }
0x50: {  	_ =	shalt  }
0x51: {  	_ =	shalt  }
0x52: {  	_ =	shalt  }
0x53: {  	_ =	shalt  }
0x54: {  	_ =	shalt  }
0x55: {  	_ =	shalt  }
0x56: {  	_ =	shalt  }
0x57: {  	_ =	shalt  }
0x58: {  	_ =	shalt  }
0x59: {  	_ =	shalt  }
0x5a: {  	_ =	shalt  }
0x5b: {  	_ =	shalt  }
0x5c: {  	_ =	shalt  }
0x5d: {  	_ =	shalt  }
0x5e: {  	_ =	shalt  }
0x5f: {  	_ =	shalt  }
0x60: {  	_ =	shalt  }
0x61: {  	_ =	shalt  }
0x62: {  	_ =	shalt  }
0x63: {  	_ =	shalt  }
0x64: {  	_ =	shalt  }
0x65: {  	_ =	shalt  }
0x66: {  	_ =	shalt  }
0x67: {  	_ =	shalt  }
0x68: {  	_ =	shalt  }
0x69: {  	_ =	shalt  }
0x6a: {  	_ =	shalt  }
0x6b: {  	_ =	shalt  }
0x6c: {  	_ =	shalt  }
0x6d: {  	_ =	shalt  }
0x6e: {  	_ =	shalt  }
0x6f: {  	_ =	shalt  }
0x70: {  	_ =	shalt  }
0x71: {  	_ =	shalt  }
0x72: {  	_ =	shalt  }
0x73: {  	_ =	shalt  }
0x74: {  	_ =	shalt  }
0x75: {  	_ =	shalt  }
0x76: {  	_ =	shalt  }
0x77: {  	_ =	shalt  }
0x78: {  	_ =	shalt  }
0x79: {  	_ =	shalt  }
0x7a: {  	_ =	shalt  }
0x7b: {  	_ =	shalt  }
0x7c: {  	_ =	shalt  }
0x7d: {  	_ =	shalt  }
0x7e: {  	_ =	shalt  }
0x7f: {  	_ =	shalt  }
0x80: {  	_ =	shalt  }
0x81: {  	_ =	shalt  }
0x82: {  	_ =	shalt  }
0x83: {  	_ =	shalt  }
0x84: {  	_ =	shalt  }
0x85: {  	_ =	shalt  }
0x86: {  	_ =	shalt  }
0x87: {  	_ =	shalt  }
.Lfunc_end0:
.L_simem_size_0:
called_computation_lowered:
.L_overlay_start_0:
0x88: {  	s2 =	sld [smem:$0x3FD9]  }
0x89: {  	s3 =	sld [smem:$0x3FFE];
	_ =	sdelay $0x1  }
0x8a: {  	s1 =	srdreg.scid  }
0x8b: {  	s0 =	sand.u32 $0x1, s1  }
0x8c: {  	s17 =	sshll.u32 s0, $0xA;
	s2 =	sadd.s32 s3, s2  }
0x8d: {  	s2 =	sadd.s32 s2, s17  }
0x8e: {  	[smem:$0x3FC4] =	sst s2  }
0x8f: {  	_ = 	snop  }
0x90: {  	s2 =	sld [smem:$0x3FC8]  }
0x91: {  	s18 =	sld [smem:$0x3FD0];
	(tm) =	ssettm $0x1  }
0x92: {  	s4 =	sld [smem:$0x3FFB];
	_ =	sdelay $0x3  }
0x93: {  	_ =	strace s4  }
0x94: {  	s4 =	sld [smem:$0x3FFC];
	_ =	sdelay $0x3  }
0x95: {  	_ =	strace s4  }
0x96: {  	s4 =	sld [smem:$0x3FFD];
	_ =	sdelay $0x3  }
0x97: {  	_ =	strace s4  }
0x98: {  	_ =	strace $0x8FFFFFFF  }
0x99: {  	s19 =	sld [smem:$0x3FDB];
	_ =	sdelay $0x1  }
0x9a: {  	s5 =	simm.s32 $_scs_section_size  }
0x9b: {  	s6 =	simm.s32 $_size__tile_overlayer_lowered;
	s7 =	simm.s32 $_tile_overlayer_lowered  }
0x9c: {  	s22 =	simm.s32 $0x1BFF;
	s21 =	sshll.u32 s7, $0x1;
	s4 =	sadd.s32 s5, s19  }
0x9d: {  	s8 =	simm.s32 $0x0;
	s20 =	sshll.u32 s6, $0x1;
	s6 =	sadd.s32 s21, s4  }
0x9e: {  	[timem:s8], [sflag:s22] =	dma.local [hbm:s6], s20  }
0x9f: {  	_ =	swait.ge [sflag:s22], s20  }
0xa0: {  	s5 =	ssub.s32 $0x0, s20;
	[sflag:s22] =	ssyncset.done $0x0  }
0xa1: {  	[sflag:s22] =	ssyncadd.s32 s5;
	_ =	sdelay $0x1  }
0xa2: {  	s23 =	simm.s32 $0x1B8B  }
0xa3: {  	_ =	swait.ge [sflag:s23], $0x1  }
0xa4: {  	[sflag:s23] =	ssyncset.done $0x0  }
0xa5: {  	s25 =	simm.s32 $0x1B8E;
	s24 =	sld [smem:$0x3FFE];
	[sflag:s23] =	ssyncadd.s32 $0xFFFFFFFF  }
0xa6: {  	s26 =	simm.s32 $execute0_lowered;
	[smem:$0x3FD2] =	sst s25  }
0xa7: {  	s6 =	sshll.u32 s26, $0x1;
	_ =	strace $0x80000046;
	[dreg:$0x1] =	wrdreg $0xFFFFFFFF  }
0xa8: {  	s28 =	simm.s32 $_size_execute0_lowered;
	s4 =	sadd.s32 s4, s6;
	[dreg:$0x0] =	wrdreg $0x0  }
0xa9: {  	s6 =	sshll.u32 s28, $0x1;
	[dreg:$0x2] =	wrdreg s4  }
0xaa: {  	[dreg:$0x3] =	wrdreg s6  }
0xab: {  	[dreg:$0x4] =	wrdreg $0xC0  }
0xac: {  	_ =	task [dreg:s8], $0x5FFFF  }
0xad: {  	[dreg:$0x1] =	wrdreg $0xFFFFFFFF  }
0xae: {  	[dreg:$0x0] =	wrdreg $0x60  }
0xaf: {  	[dreg:$0x2] =	wrdreg s24  }
0xb0: {  	[dreg:$0x3] =	wrdreg s2  }
0xb1: {  	[dreg:$0x4] =	wrdreg s18  }
0xb2: {  	[dreg:$0x5] =	wrdreg $0x9  }
0xb3: {  	_ =	task.clear_ibuf [dreg:s8], $0x6FFFF;
	_ =	strace $0x90000046  }
0xb4: {  	s29 =	simm.s32 $0x9;
	_ =	strace $0x80000048  }
0xb5: {  	_ =	swait.ge [sflag:s29], $0x1  }
0xb6: {  	[sflag:s29] =	ssyncadd.s32 $0xFFFFFFFF  }
0xb7: {  	_ =	strace $0x90000048  }
0xb8: {  	_ =	sfence  }
0xb9: {  	s30 =	sld [smem:$0x0];
	_ =	sdelay $0x2  }
0xba: {  	s31 =	sshll.u32 s1, $0xD;
	s1 =	sshrl.u32 s1, $0x2  }
0xbb: {  	s3 =	sand.u32 $0x4000, s31;
	s1 =	sadd.s32 s1, s30  }
0xbc: {  	s0 =	sor.u32 s3, s0;
	s1 =	sshll.u32 s1, $0x11  }
0xbd: {  	s0 =	sor.u32 s1, s0  }
0xbe: {  	s0 =	sadd.s32 $0x8F2B, s0  }
0xbf: {  	[sflag:s0] =	ssyncadd.remote.s32 $0x1  }
0xc0: {  	_ =	sfence.sel $0xFFFF  }
0xc1: {  	[dreg:$0x0] =	wrdreg $0xFFFFFFFF;
	(pc) =	sbr.abs _section_cstart, $3  }
0xc2: {  	[dreg:$0x1] =	wrdreg $0xFFFFFFFF  }
0xc3: {  	_ =	task.clear_ibuf [dreg:s8], $0x2FFFF;
	_ =	strace $0x9FFFFFFF  }
0xc4: {  	(tm) =	ssettm $0x7FFFFFFF  }
0xc5: {  	_ =	shalt  }
tec
execute0_lowered:
.L_overlay_start_1:
0x0: {  	(tag) =	ssettag $0x1  }
0x1: {  	s0 =	srdreg.scid;
	s2 =	stileid.u32  }
0x2: {  	s0 =	sand.u32 $0x1, s0;
	s3 =	sshll.u32 s2, $0x1  }
0x3: {  	s4 =	sor.u32 s0, s3  }
0x4: {  	s1 =	rddreg [dreg:$0x0];
	s6 =	smul.u32 $0x4D, s4  }
0x5: {  	s5 =	rddreg [dreg:$0x2];
	s3 =	simm.s32 $0x0;
	s7 =	smul.u32 $0x9A000, s4  }
0x6: {  	[smem:$0x7FF] =	sst s3;
	s4 =	smul.u32 $0x13400, s4  }
0x7: {  	s2 =	rddreg [dreg:$0x1];
	_ =	strace $0x80000047  }
0x8: {  	s1 =	sadd.s32 s6, s1;
	s18 =	sshrl.u32 s7, $0x3;
	s19 =	sadd.s32 s5, s4  }
0x9: {  	s1 =	sadd.s32 $0xE00, s1;
	s7 =	sadd.s32 s5, s18;
	[dreg:$0x5] =	wrdreg s19  }
0xa: {  	[dreg:$0x4] =	wrdreg s1;
	s20 =	sadd.s32 $0x1C00, s7  }
0xb: {  	s14 =	simm.s32 $0x1;
	s21 =	sadd.s32 $0x3800, s7;
	[dreg:$0x6] =	wrdreg s20  }
0xc: {  	s15 =	simm.s32 $0x3;
	s22 =	sadd.s32 $0x5400, s7;
	[dreg:$0x7] =	wrdreg s21  }
0xd: {  	s16 =	simm.s32 $0x2;
	s23 =	sadd.s32 $0x7000, s7;
	[dreg:$0x8] =	wrdreg s22  }
0xe: {  	s17 =	simm.s32 $0x4;
	s24 =	sadd.s32 $0x8C00, s7;
	[dreg:$0x9] =	wrdreg s23  }
0xf: {  	s0 =	ssub.s32 $0x2, s0;
	s26 =	sadd.s32 $0xA800, s7;
	[dreg:$0xa] =	wrdreg s24  }
0x10: {  	s25 =	sshrl.u32 s0, $0x1;
	s28 =	sadd.s32 $0xC400, s7;
	[dreg:$0xb] =	wrdreg s26  }
0x11: {  	s0 =	ssub.s32 s0, s25;
	s29 =	sadd.s32 $0xE000, s7;
	[dreg:$0xc] =	wrdreg s28  }
0x12: {  	v2 =	vlaneseq.u32;
	s4 =	sadd.s32 $0x100, s2;
	s30 =	sadd.s32 $0xFC00, s7;
	[dreg:$0xd] =	wrdreg s29  }
0x13: {  	vm0 =	vmmov $0xffff;
	v1 =	vshrl.u32 v2, $0x3;
	s6 =	sadd.s32 $0x300, s2;
	s31 =	sadd.s32 $0x11800, s7;
	[dreg:$0xe] =	wrdreg s30  }
0x14: {  	v0 =	vand.u32 $0x7, v2;
	v2 =	vor.u32 $0x8, v2;
	v1 =	vmul.u32 $0x8, v1;
	s0 =	smax.u32 s0, $0x1;
	s5 =	sadd.s32 $0x200, s2;
	[dreg:$0xf] =	wrdreg s31  }
.LBB2_1:
0x15: {  	[dreg:$0x10] =	wrdreg s0  }
0x16: {  	s18 =	rddreg [dreg:$0x4];
	s13 =	simm.s32 $0x5  }
0x17: {  	[tilespmem:s3], [sflag:$0x5] =	stream.linear.gather [hbm4b:s18+s3], $0x268, $0x38;
	[tilespmem:$0x1C280] =	vst v63  }
0x18: {  	_ =	swait.ge [sflag:s13], $0x268  }
0x19: {  	[sflag:s13] =	ssyncset.done $0x0  }
0x1a: {  	[sflag:s13] =	ssyncadd.s32 $0xFFFFFD98  }
0x1b: {  	v3 =	vld [tilespmem:$0x0];
	_ =	sdelay $0x4  }
0x1c: {  	v4 =	vshll.u32 v3, $0x3  }
0x1d: {  	v3 =	vand.u32 $0x7, v3;
	v4 =	vand.u32 $0xFFFFFFC0, v4  }
0x1e: {  	v3 =	vor.u32 v3, v4  }
0x1f: {  	v4 =	vperm.xlane v3, v0;
	_ =	sdelay $0x1  }
0x20: {  	v4 =	vadd.s32 v1, v4;
	_ =	sdelay $0x3  }
0x21: {  	s18 =	simm.s32 $0x280  }
0x22: {  	[tilespmem:s18], [sflag:$0x1] =	stream.indirect_vreg.gather [hbm4b:s2+s3], $0x80, v4, vm0, $0xb8;
	[tilespmem:$0x1C280] =	vst v63  }
0x23: {  	s19 =	simm.s32 $0xA80;
	v3 =	vperm.xlane v3, v2  }
0x24: {  	[tilespmem:s19], [sflag:$0x1] =	stream.indirect_vreg.gather [hbm4b:s4+s3], $0x80, v4, vm0, $0xb8;
	[tilespmem:$0x1C280] =	vst v63  }
0x25: {  	s20 =	simm.s32 $0x1280;
	v3 =	vadd.s32 v1, v3  }
0x26: {  	[tilespmem:s20], [sflag:$0x1] =	stream.indirect_vreg.gather [hbm4b:s5+s3], $0x80, v4, vm0, $0xb8;
	[tilespmem:$0x1C280] =	vst v63  }
0x27: {  	s21 =	simm.s32 $0x1A80  }
0x28: {  	[tilespmem:s21], [sflag:$0x1] =	stream.indirect_vreg.gather [hbm4b:s6+s3], $0x80, v4, vm0, $0xb8;
	[tilespmem:$0x1C280] =	vst v63  }
0x29: {  	s22 =	simm.s32 $0x2280  }
0x2a: {  	[tilespmem:s22], [sflag:$0x1] =	stream.indirect_vreg.gather [hbm4b:s2+s3], $0x80, v3, vm0, $0xb8;
	[tilespmem:$0x1C280] =	vst v63  }
0x2b: {  	s23 =	simm.s32 $0x2A80  }
0x2c: {  	[tilespmem:s23], [sflag:$0x1] =	stream.indirect_vreg.gather [hbm4b:s4+s3], $0x80, v3, vm0, $0xb8;
	[tilespmem:$0x1C280] =	vst v63  }
0x2d: {  	s24 =	simm.s32 $0x3280  }
0x2e: {  	[tilespmem:s24], [sflag:$0x1] =	stream.indirect_vreg.gather [hbm4b:s5+s3], $0x80, v3, vm0, $0xb8;
	[tilespmem:$0x1C280] =	vst v63  }
0x2f: {  	s25 =	simm.s32 $0x3A80  }
0x30: {  	[tilespmem:s25], [sflag:$0x1] =	stream.indirect_vreg.gather [hbm4b:s6+s3], $0x80, v3, vm0, $0xb8;
	[tilespmem:$0x1C280] =	vst v63  }
0x31: {  	v3 =	vld [tilespmem:$0x10];
	_ =	sdelay $0x4  }
0x32: {  	v21 =	vshll.u32 v3, $0x3  }
0x33: {  	v3 =	vand.u32 $0x7, v3;
	v4 =	vand.u32 $0xFFFFFFC0, v21  }
0x34: {  	v3 =	vor.u32 v3, v4  }
0x35: {  	v4 =	vperm.xlane v3, v0;
	_ =	sdelay $0x1  }
0x36: {  	v4 =	vadd.s32 v1, v4;
	_ =	sdelay $0x3  }
0x37: {  	s26 =	simm.s32 $0x4280  }
0x38: {  	[tilespmem:s26], [sflag:$0x1] =	stream.indirect_vreg.gather [hbm4b:s2+s3], $0x80, v4, vm0, $0xb8;
	[tilespmem:$0x1C280] =	vst v63  }
0x39: {  	s28 =	simm.s32 $0x4A80;
	v3 =	vperm.xlane v3, v2  }
0x3a: {  	[tilespmem:s28], [sflag:$0x1] =	stream.indirect_vreg.gather [hbm4b:s4+s3], $0x80, v4, vm0, $0xb8;
	[tilespmem:$0x1C280] =	vst v63  }
0x3b: {  	s29 =	simm.s32 $0x5280;
	v3 =	vadd.s32 v1, v3  }
0x3c: {  	[tilespmem:s29], [sflag:$0x1] =	stream.indirect_vreg.gather [hbm4b:s5+s3], $0x80, v4, vm0, $0xb8;
	[tilespmem:$0x1C280] =	vst v63  }
0x3d: {  	s30 =	simm.s32 $0x5A80  }
0x3e: {  	[tilespmem:s30], [sflag:$0x1] =	stream.indirect_vreg.gather [hbm4b:s6+s3], $0x80, v4, vm0, $0xb8;
	[tilespmem:$0x1C280] =	vst v63  }
0x3f: {  	s31 =	simm.s32 $0x6280  }
0x40: {  	[tilespmem:s31], [sflag:$0x1] =	stream.indirect_vreg.gather [hbm4b:s2+s3], $0x80, v3, vm0, $0xb8;
	[tilespmem:$0x1C280] =	vst v63  }
0x41: {  	s7 =	simm.s32 $0x6A80  }
0x42: {  	[tilespmem:s7], [sflag:$0x1] =	stream.indirect_vreg.gather [hbm4b:s4+s3], $0x80, v3, vm0, $0xb8;
	[tilespmem:$0x1C280] =	vst v63  }
0x43: {  	s8 =	simm.s32 $0x7280  }
0x44: {  	[tilespmem:s8], [sflag:$0x1] =	stream.indirect_vreg.gather [hbm4b:s5+s3], $0x80, v3, vm0, $0xb8;
	[tilespmem:$0x1C280] =	vst v63  }
0x45: {  	s9 =	simm.s32 $0x7A80  }
0x46: {  	[tilespmem:s9], [sflag:$0x1] =	stream.indirect_vreg.gather [hbm4b:s6+s3], $0x80, v3, vm0, $0xb8;
	[tilespmem:$0x1C280] =	vst v63  }
0x47: {  	v3 =	vld [tilespmem:$0x20];
	_ =	sdelay $0x4  }
0x48: {  	v22 =	vshll.u32 v3, $0x3  }
0x49: {  	v3 =	vand.u32 $0x7, v3;
	v4 =	vand.u32 $0xFFFFFFC0, v22  }
0x4a: {  	v3 =	vor.u32 v3, v4  }
0x4b: {  	v4 =	vperm.xlane v3, v0;
	_ =	sdelay $0x1  }
0x4c: {  	v4 =	vadd.s32 v1, v4;
	_ =	sdelay $0x3  }
0x4d: {  	s10 =	simm.s32 $0x8280  }
0x4e: {  	[tilespmem:s10], [sflag:$0x1] =	stream.indirect_vreg.gather [hbm4b:s2+s3], $0x80, v4, vm0, $0xb8;
	[tilespmem:$0x1C280] =	vst v63  }
0x4f: {  	s13 =	simm.s32 $0x8A80;
	v3 =	vperm.xlane v3, v2  }
0x50: {  	[tilespmem:s13], [sflag:$0x1] =	stream.indirect_vreg.gather [hbm4b:s4+s3], $0x80, v4, vm0, $0xb8;
	[tilespmem:$0x1C280] =	vst v63  }
0x51: {  	s18 =	simm.s32 $0x9280;
	v3 =	vadd.s32 v1, v3  }
0x52: {  	[tilespmem:s18], [sflag:$0x1] =	stream.indirect_vreg.gather [hbm4b:s5+s3], $0x80, v4, vm0, $0xb8;
	[tilespmem:$0x1C280] =	vst v63  }
0x53: {  	s20 =	simm.s32 $0x9A80  }
0x54: {  	[tilespmem:s20], [sflag:$0x1] =	stream.indirect_vreg.gather [hbm4b:s6+s3], $0x80, v4, vm0, $0xb8;
	[tilespmem:$0x1C280] =	vst v63  }
0x55: {  	s21 =	simm.s32 $0xA280  }
0x56: {  	[tilespmem:s21], [sflag:$0x1] =	stream.indirect_vreg.gather [hbm4b:s2+s3], $0x80, v3, vm0, $0xb8;
	[tilespmem:$0x1C280] =	vst v63  }
0x57: {  	s25 =	simm.s32 $0xAA80  }
0x58: {  	[tilespmem:s25], [sflag:$0x1] =	stream.indirect_vreg.gather [hbm4b:s4+s3], $0x80, v3, vm0, $0xb8;
	[tilespmem:$0x1C280] =	vst v63  }
0x59: {  	s26 =	simm.s32 $0xB280  }
0x5a: {  	[tilespmem:s26], [sflag:$0x1] =	stream.indirect_vreg.gather [hbm4b:s5+s3], $0x80, v3, vm0, $0xb8;
	[tilespmem:$0x1C280] =	vst v63  }
0x5b: {  	s28 =	simm.s32 $0xBA80  }
0x5c: {  	[tilespmem:s28], [sflag:$0x1] =	stream.indirect_vreg.gather [hbm4b:s6+s3], $0x80, v3, vm0, $0xb8;
	[tilespmem:$0x1C280] =	vst v63  }
0x5d: {  	v3 =	vld.msk [tilespmem:$0x30], $0xff;
	_ =	sdelay $0x4  }
0x5e: {  	v23 =	vshll.u32 v3, $0x3  }
0x5f: {  	v3 =	vand.u32 $0x7, v3;
	v4 =	vand.u32 $0xFFFFFFC0, v23  }
0x60: {  	v3 =	vor.u32 v3, v4  }
0x61: {  	v3 =	vperm.xlane v3, v0;
	_ =	sdelay $0x1  }
0x62: {  	v3 =	vadd.s32 v1, v3;
	_ =	sdelay $0x3  }
0x63: {  	s29 =	simm.s32 $0xC280  }
0x64: {  	[tilespmem:s29], [sflag:$0x1] =	stream.indirect_vreg.gather [hbm4b:s2+s3], $0x80, v3, vm0, $0xb8;
	[tilespmem:$0x1C280] =	vst v63  }
0x65: {  	s30 =	simm.s32 $0xCA80  }
0x66: {  	[tilespmem:s30], [sflag:$0x1] =	stream.indirect_vreg.gather [hbm4b:s4+s3], $0x80, v3, vm0, $0xb8;
	[tilespmem:$0x1C280] =	vst v63  }
0x67: {  	s31 =	simm.s32 $0xD280  }
0x68: {  	[tilespmem:s31], [sflag:$0x1] =	stream.indirect_vreg.gather [hbm4b:s5+s3], $0x80, v3, vm0, $0xb8;
	[tilespmem:$0x1C280] =	vst v63  }
0x69: {  	s7 =	simm.s32 $0xDA80  }
0x6a: {  	[tilespmem:s7], [sflag:$0x1] =	stream.indirect_vreg.gather [hbm4b:s6+s3], $0x80, v3, vm0, $0xb8;
	[tilespmem:$0x1C280] =	vst v63  }
0x6b: {  	v3 =	vld [tilespmem:$0x38];
	_ =	sdelay $0x4  }
0x6c: {  	v24 =	vshll.u32 v3, $0x3  }
0x6d: {  	v3 =	vand.u32 $0x7, v3;
	v4 =	vand.u32 $0xFFFFFFC0, v24  }
0x6e: {  	v3 =	vor.u32 v3, v4  }
0x6f: {  	v4 =	vperm.xlane v3, v0;
	_ =	sdelay $0x1  }
0x70: {  	v4 =	vadd.s32 v1, v4;
	_ =	sdelay $0x3  }
0x71: {  	s8 =	simm.s32 $0xE280  }
0x72: {  	[tilespmem:s8], [sflag:$0x2] =	stream.indirect_vreg.gather [hbm4b:s2+s3], $0x80, v4, vm0, $0xb8;
	[tilespmem:$0x1C280] =	vst v63  }
0x73: {  	s9 =	simm.s32 $0xEA80;
	v3 =	vperm.xlane v3, v2  }
0x74: {  	[tilespmem:s9], [sflag:$0x2] =	stream.indirect_vreg.gather [hbm4b:s4+s3], $0x80, v4, vm0, $0xb8;
	[tilespmem:$0x1C280] =	vst v63  }
0x75: {  	s10 =	simm.s32 $0xF280;
	v3 =	vadd.s32 v1, v3  }
0x76: {  	[tilespmem:s10], [sflag:$0x2] =	stream.indirect_vreg.gather [hbm4b:s5+s3], $0x80, v4, vm0, $0xb8;
	[tilespmem:$0x1C280] =	vst v63  }
0x77: {  	s13 =	simm.s32 $0xFA80  }
0x78: {  	[tilespmem:s13], [sflag:$0x2] =	stream.indirect_vreg.gather [hbm4b:s6+s3], $0x80, v4, vm0, $0xb8;
	[tilespmem:$0x1C280] =	vst v63  }
0x79: {  	s18 =	simm.s32 $0x10280  }
0x7a: {  	[tilespmem:s18], [sflag:$0x2] =	stream.indirect_vreg.gather [hbm4b:s2+s3], $0x80, v3, vm0, $0xb8;
	[tilespmem:$0x1C280] =	vst v63  }
0x7b: {  	s20 =	simm.s32 $0x10A80  }
0x7c: {  	[tilespmem:s20], [sflag:$0x2] =	stream.indirect_vreg.gather [hbm4b:s4+s3], $0x80, v3, vm0, $0xb8;
	[tilespmem:$0x1C280] =	vst v63  }
0x7d: {  	s21 =	simm.s32 $0x11280  }
0x7e: {  	[tilespmem:s21], [sflag:$0x2] =	stream.indirect_vreg.gather [hbm4b:s5+s3], $0x80, v3, vm0, $0xb8;
	[tilespmem:$0x1C280] =	vst v63  }
0x7f: {  	s25 =	simm.s32 $0x11A80  }
0x80: {  	[tilespmem:s25], [sflag:$0x2] =	stream.indirect_vreg.gather [hbm4b:s6+s3], $0x80, v3, vm0, $0xb8;
	[tilespmem:$0x1C280] =	vst v63  }
0x81: {  	v3 =	vld [tilespmem:$0x48];
	_ =	sdelay $0x4  }
0x82: {  	v25 =	vshll.u32 v3, $0x3  }
0x83: {  	v3 =	vand.u32 $0x7, v3;
	v4 =	vand.u32 $0xFFFFFFC0, v25  }
0x84: {  	v3 =	vor.u32 v3, v4  }
0x85: {  	v4 =	vperm.xlane v3, v0;
	_ =	sdelay $0x1  }
0x86: {  	v4 =	vadd.s32 v1, v4;
	_ =	sdelay $0x3  }
0x87: {  	s26 =	simm.s32 $0x12280  }
0x88: {  	[tilespmem:s26], [sflag:$0x2] =	stream.indirect_vreg.gather [hbm4b:s2+s3], $0x80, v4, vm0, $0xb8;
	[tilespmem:$0x1C280] =	vst v63  }
0x89: {  	s29 =	simm.s32 $0x12A80;
	v3 =	vperm.xlane v3, v2  }
0x8a: {  	[tilespmem:s29], [sflag:$0x2] =	stream.indirect_vreg.gather [hbm4b:s4+s3], $0x80, v4, vm0, $0xb8;
	[tilespmem:$0x1C280] =	vst v63  }
0x8b: {  	s30 =	simm.s32 $0x13280;
	v3 =	vadd.s32 v1, v3  }
0x8c: {  	[tilespmem:s30], [sflag:$0x2] =	stream.indirect_vreg.gather [hbm4b:s5+s3], $0x80, v4, vm0, $0xb8;
	[tilespmem:$0x1C280] =	vst v63  }
0x8d: {  	s8 =	simm.s32 $0x13A80  }
0x8e: {  	[tilespmem:s8], [sflag:$0x2] =	stream.indirect_vreg.gather [hbm4b:s6+s3], $0x80, v4, vm0, $0xb8;
	[tilespmem:$0x1C280] =	vst v63  }
0x8f: {  	s10 =	simm.s32 $0x14280  }
0x90: {  	[tilespmem:s10], [sflag:$0x2] =	stream.indirect_vreg.gather [hbm4b:s2+s3], $0x80, v3, vm0, $0xb8;
	[tilespmem:$0x1C280] =	vst v63  }
0x91: {  	s13 =	simm.s32 $0x14A80  }
0x92: {  	[tilespmem:s13], [sflag:$0x2] =	stream.indirect_vreg.gather [hbm4b:s4+s3], $0x80, v3, vm0, $0xb8;
	[tilespmem:$0x1C280] =	vst v63  }
0x93: {  	s18 =	simm.s32 $0x15280  }
0x94: {  	[tilespmem:s18], [sflag:$0x2] =	stream.indirect_vreg.gather [hbm4b:s5+s3], $0x80, v3, vm0, $0xb8;
	[tilespmem:$0x1C280] =	vst v63  }
0x95: {  	s20 =	simm.s32 $0x15A80  }
0x96: {  	[tilespmem:s20], [sflag:$0x2] =	stream.indirect_vreg.gather [hbm4b:s6+s3], $0x80, v3, vm0, $0xb8;
	[tilespmem:$0x1C280] =	vst v63  }
0x97: {  	v3 =	vld [tilespmem:$0x58];
	_ =	sdelay $0x4  }
0x98: {  	v26 =	vshll.u32 v3, $0x3  }
0x99: {  	v3 =	vand.u32 $0x7, v3;
	v4 =	vand.u32 $0xFFFFFFC0, v26  }
0x9a: {  	v3 =	vor.u32 v3, v4  }
0x9b: {  	v4 =	vperm.xlane v3, v0;
	_ =	sdelay $0x1  }
0x9c: {  	v4 =	vadd.s32 v1, v4;
	_ =	sdelay $0x3  }
0x9d: {  	s21 =	simm.s32 $0x16280  }
0x9e: {  	[tilespmem:s21], [sflag:$0x2] =	stream.indirect_vreg.gather [hbm4b:s2+s3], $0x80, v4, vm0, $0xb8;
	[tilespmem:$0x1C280] =	vst v63  }
0x9f: {  	s25 =	simm.s32 $0x16A80;
	v3 =	vperm.xlane v3, v2  }
0xa0: {  	[tilespmem:s25], [sflag:$0x2] =	stream.indirect_vreg.gather [hbm4b:s4+s3], $0x80, v4, vm0, $0xb8;
	[tilespmem:$0x1C280] =	vst v63  }
0xa1: {  	s26 =	simm.s32 $0x17280;
	v3 =	vadd.s32 v1, v3  }
0xa2: {  	[tilespmem:s26], [sflag:$0x2] =	stream.indirect_vreg.gather [hbm4b:s5+s3], $0x80, v4, vm0, $0xb8;
	[tilespmem:$0x1C280] =	vst v63  }
0xa3: {  	s29 =	simm.s32 $0x17A80  }
0xa4: {  	[tilespmem:s29], [sflag:$0x2] =	stream.indirect_vreg.gather [hbm4b:s6+s3], $0x80, v4, vm0, $0xb8;
	[tilespmem:$0x1C280] =	vst v63  }
0xa5: {  	s30 =	simm.s32 $0x18280  }
0xa6: {  	[tilespmem:s30], [sflag:$0x2] =	stream.indirect_vreg.gather [hbm4b:s2+s3], $0x80, v3, vm0, $0xb8;
	[tilespmem:$0x1C280] =	vst v63  }
0xa7: {  	s8 =	simm.s32 $0x18A80  }
0xa8: {  	[tilespmem:s8], [sflag:$0x2] =	stream.indirect_vreg.gather [hbm4b:s4+s3], $0x80, v3, vm0, $0xb8;
	[tilespmem:$0x1C280] =	vst v63  }
0xa9: {  	s10 =	simm.s32 $0x19280  }
0xaa: {  	[tilespmem:s10], [sflag:$0x2] =	stream.indirect_vreg.gather [hbm4b:s5+s3], $0x80, v3, vm0, $0xb8;
	[tilespmem:$0x1C280] =	vst v63  }
0xab: {  	s13 =	simm.s32 $0x19A80  }
0xac: {  	[tilespmem:s13], [sflag:$0x2] =	stream.indirect_vreg.gather [hbm4b:s6+s3], $0x80, v3, vm0, $0xb8;
	[tilespmem:$0x1C280] =	vst v63  }
0xad: {  	v3 =	vld.msk [tilespmem:$0x68], $0xff;
	_ =	sdelay $0x4  }
0xae: {  	v27 =	vshll.u32 v3, $0x3  }
0xaf: {  	v3 =	vand.u32 $0x7, v3;
	v4 =	vand.u32 $0xFFFFFFC0, v27  }
0xb0: {  	v3 =	vor.u32 v3, v4  }
0xb1: {  	v3 =	vperm.xlane v3, v0;
	_ =	sdelay $0x1  }
0xb2: {  	v3 =	vadd.s32 v1, v3;
	_ =	sdelay $0x3  }
0xb3: {  	s18 =	simm.s32 $0x1A280  }
0xb4: {  	[tilespmem:s18], [sflag:$0x2] =	stream.indirect_vreg.gather [hbm4b:s2+s3], $0x80, v3, vm0, $0xb8;
	[tilespmem:$0x1C280] =	vst v63  }
0xb5: {  	s20 =	simm.s32 $0x1AA80  }
0xb6: {  	[tilespmem:s20], [sflag:$0x2] =	stream.indirect_vreg.gather [hbm4b:s4+s3], $0x80, v3, vm0, $0xb8;
	[tilespmem:$0x1C280] =	vst v63  }
0xb7: {  	s21 =	simm.s32 $0x1B280  }
0xb8: {  	[tilespmem:s21], [sflag:$0x2] =	stream.indirect_vreg.gather [hbm4b:s5+s3], $0x80, v3, vm0, $0xb8;
	[tilespmem:$0x1C280] =	vst v63  }
0xb9: {  	s25 =	simm.s32 $0x1BA80  }
0xba: {  	[tilespmem:s25], [sflag:$0x2] =	stream.indirect_vreg.gather [hbm4b:s6+s3], $0x80, v3, vm0, $0xb8;
	[tilespmem:$0x1C280] =	vst v63  }
0xbb: {  	_ =	swait.ge [sflag:s14], $0xE000  }
0xbc: {  	[sflag:s14] =	ssyncset.done $0x0  }
0xbd: {  	s29 =	simm.s32 $0x280;
	s26 =	rddreg [dreg:$0x5];
	[sflag:s14] =	ssyncadd.s32 $0xFFFF2000  }
0xbe: {  	[hbm4b:s26+s3] =	stream.linear.scatter [tilespmem:s29], [sflag:$0x3], $0xE000, $0x38;
	[tilespmem:$0x1C280] =	vst v63  }
0xbf: {  	_ =	swait.ge [sflag:s15], $0xE000  }
0xc0: {  	[sflag:s15] =	ssyncset.done $0x0  }
0xc1: {  	[sflag:s15] =	ssyncadd.s32 $0xFFFF2000  }
0xc2: {  	v3 =	vld [tilespmem:$0x70];
	_ =	sdelay $0x4  }
0xc3: {  	v28 =	vshll.u32 v3, $0x3  }
0xc4: {  	v3 =	vand.u32 $0x7, v3;
	v4 =	vand.u32 $0xFFFFFFC0, v28  }
0xc5: {  	v3 =	vor.u32 v3, v4  }
0xc6: {  	v4 =	vperm.xlane v3, v0;
	_ =	sdelay $0x1  }
0xc7: {  	v4 =	vadd.s32 v1, v4;
	_ =	sdelay $0x4  }
0xc8: {  	[tilespmem:s29], [sflag:$0x1] =	stream.indirect_vreg.gather [hbm4b:s2+s3], $0x80, v4, vm0, $0xb8;
	[tilespmem:$0x1C280] =	vst v63  }
0xc9: {  	s1 =	simm.s32 $0xA80;
	v3 =	vperm.xlane v3, v2  }
0xca: {  	[tilespmem:s1], [sflag:$0x1] =	stream.indirect_vreg.gather [hbm4b:s4+s3], $0x80, v4, vm0, $0xb8;
	[tilespmem:$0x1C280] =	vst v63  }
0xcb: {  	s30 =	simm.s32 $0x1280;
	v3 =	vadd.s32 v1, v3  }
0xcc: {  	[tilespmem:s30], [sflag:$0x1] =	stream.indirect_vreg.gather [hbm4b:s5+s3], $0x80, v4, vm0, $0xb8;
	[tilespmem:$0x1C280] =	vst v63  }
0xcd: {  	s1 =	simm.s32 $0x1A80  }
0xce: {  	[tilespmem:s1], [sflag:$0x1] =	stream.indirect_vreg.gather [hbm4b:s6+s3], $0x80, v4, vm0, $0xb8;
	[tilespmem:$0x1C280] =	vst v63  }
0xcf: {  	s13 =	simm.s32 $0x2280  }
0xd0: {  	[tilespmem:s13], [sflag:$0x1] =	stream.indirect_vreg.gather [hbm4b:s2+s3], $0x80, v3, vm0, $0xb8;
	[tilespmem:$0x1C280] =	vst v63  }
0xd1: {  	s8 =	simm.s32 $0x2A80  }
0xd2: {  	[tilespmem:s8], [sflag:$0x1] =	stream.indirect_vreg.gather [hbm4b:s4+s3], $0x80, v3, vm0, $0xb8;
	[tilespmem:$0x1C280] =	vst v63  }
0xd3: {  	s10 =	simm.s32 $0x3280  }
0xd4: {  	[tilespmem:s10], [sflag:$0x1] =	stream.indirect_vreg.gather [hbm4b:s5+s3], $0x80, v3, vm0, $0xb8;
	[tilespmem:$0x1C280] =	vst v63  }
0xd5: {  	s11 =	simm.s32 $0x3A80  }
0xd6: {  	[tilespmem:s11], [sflag:$0x1] =	stream.indirect_vreg.gather [hbm4b:s6+s3], $0x80, v3, vm0, $0xb8;
	[tilespmem:$0x1C280] =	vst v63  }
0xd7: {  	v3 =	vld [tilespmem:$0x80];
	_ =	sdelay $0x4  }
0xd8: {  	v29 =	vshll.u32 v3, $0x3  }
0xd9: {  	v3 =	vand.u32 $0x7, v3;
	v4 =	vand.u32 $0xFFFFFFC0, v29  }
0xda: {  	v3 =	vor.u32 v3, v4  }
0xdb: {  	v4 =	vperm.xlane v3, v0;
	_ =	sdelay $0x1  }
0xdc: {  	v4 =	vadd.s32 v1, v4;
	_ =	sdelay $0x3  }
0xdd: {  	s12 =	simm.s32 $0x4280  }
0xde: {  	[tilespmem:s12], [sflag:$0x1] =	stream.indirect_vreg.gather [hbm4b:s2+s3], $0x80, v4, vm0, $0xb8;
	[tilespmem:$0x1C280] =	vst v63  }
0xdf: {  	s19 =	simm.s32 $0x4A80;
	v3 =	vperm.xlane v3, v2  }
0xe0: {  	[tilespmem:s19], [sflag:$0x1] =	stream.indirect_vreg.gather [hbm4b:s4+s3], $0x80, v4, vm0, $0xb8;
	[tilespmem:$0x1C280] =	vst v63  }
0xe1: {  	s11 =	simm.s32 $0x5280;
	v3 =	vadd.s32 v1, v3  }
0xe2: {  	[tilespmem:s11], [sflag:$0x1] =	stream.indirect_vreg.gather [hbm4b:s5+s3], $0x80, v4, vm0, $0xb8;
	[tilespmem:$0x1C280] =	vst v63  }
0xe3: {  	s12 =	simm.s32 $0x5A80  }
0xe4: {  	[tilespmem:s12], [sflag:$0x1] =	stream.indirect_vreg.gather [hbm4b:s6+s3], $0x80, v4, vm0, $0xb8;
	[tilespmem:$0x1C280] =	vst v63  }
0xe5: {  	s19 =	simm.s32 $0x6280  }
0xe6: {  	[tilespmem:s19], [sflag:$0x1] =	stream.indirect_vreg.gather [hbm4b:s2+s3], $0x80, v3, vm0, $0xb8;
	[tilespmem:$0x1C280] =	vst v63  }
0xe7: {  	s20 =	simm.s32 $0x6A80  }
0xe8: {  	[tilespmem:s20], [sflag:$0x1] =	stream.indirect_vreg.gather [hbm4b:s4+s3], $0x80, v3, vm0, $0xb8;
	[tilespmem:$0x1C280] =	vst v63  }
0xe9: {  	s21 =	simm.s32 $0x7280  }
0xea: {  	[tilespmem:s21], [sflag:$0x1] =	stream.indirect_vreg.gather [hbm4b:s5+s3], $0x80, v3, vm0, $0xb8;
	[tilespmem:$0x1C280] =	vst v63  }
0xeb: {  	s22 =	simm.s32 $0x7A80  }
0xec: {  	[tilespmem:s22], [sflag:$0x1] =	stream.indirect_vreg.gather [hbm4b:s6+s3], $0x80, v3, vm0, $0xb8;
	[tilespmem:$0x1C280] =	vst v63  }
0xed: {  	v3 =	vld [tilespmem:$0x90];
	_ =	sdelay $0x4  }
0xee: {  	v30 =	vshll.u32 v3, $0x3  }
0xef: {  	v3 =	vand.u32 $0x7, v3;
	v4 =	vand.u32 $0xFFFFFFC0, v30  }
0xf0: {  	v3 =	vor.u32 v3, v4  }
0xf1: {  	v4 =	vperm.xlane v3, v0;
	_ =	sdelay $0x1  }
0xf2: {  	v4 =	vadd.s32 v1, v4;
	_ =	sdelay $0x3  }
0xf3: {  	s23 =	simm.s32 $0x8280  }
0xf4: {  	[tilespmem:s23], [sflag:$0x1] =	stream.indirect_vreg.gather [hbm4b:s2+s3], $0x80, v4, vm0, $0xb8;
	[tilespmem:$0x1C280] =	vst v63  }
0xf5: {  	s24 =	simm.s32 $0x8A80;
	v3 =	vperm.xlane v3, v2  }
0xf6: {  	[tilespmem:s24], [sflag:$0x1] =	stream.indirect_vreg.gather [hbm4b:s4+s3], $0x80, v4, vm0, $0xb8;
	[tilespmem:$0x1C280] =	vst v63  }
0xf7: {  	s22 =	simm.s32 $0x9280;
	v3 =	vadd.s32 v1, v3  }
0xf8: {  	[tilespmem:s22], [sflag:$0x1] =	stream.indirect_vreg.gather [hbm4b:s5+s3], $0x80, v4, vm0, $0xb8;
	[tilespmem:$0x1C280] =	vst v63  }
0xf9: {  	s23 =	simm.s32 $0x9A80  }
0xfa: {  	[tilespmem:s23], [sflag:$0x1] =	stream.indirect_vreg.gather [hbm4b:s6+s3], $0x80, v4, vm0, $0xb8;
	[tilespmem:$0x1C280] =	vst v63  }
0xfb: {  	s24 =	simm.s32 $0xA280  }
0xfc: {  	[tilespmem:s24], [sflag:$0x1] =	stream.indirect_vreg.gather [hbm4b:s2+s3], $0x80, v3, vm0, $0xb8;
	[tilespmem:$0x1C280] =	vst v63  }
0xfd: {  	s25 =	simm.s32 $0xAA80  }
0xfe: {  	[tilespmem:s25], [sflag:$0x1] =	stream.indirect_vreg.gather [hbm4b:s4+s3], $0x80, v3, vm0, $0xb8;
	[tilespmem:$0x1C280] =	vst v63  }
0xff: {  	s26 =	simm.s32 $0xB280  }
0x100: {  	[tilespmem:s26], [sflag:$0x1] =	stream.indirect_vreg.gather [hbm4b:s5+s3], $0x80, v3, vm0, $0xb8;
	[tilespmem:$0x1C280] =	vst v63  }
0x101: {  	s28 =	simm.s32 $0xBA80  }
0x102: {  	[tilespmem:s28], [sflag:$0x1] =	stream.indirect_vreg.gather [hbm4b:s6+s3], $0x80, v3, vm0, $0xb8;
	[tilespmem:$0x1C280] =	vst v63  }
0x103: {  	v3 =	vld.msk [tilespmem:$0xA0], $0xff;
	_ =	sdelay $0x4  }
0x104: {  	v31 =	vshll.u32 v3, $0x3  }
0x105: {  	v3 =	vand.u32 $0x7, v3;
	v4 =	vand.u32 $0xFFFFFFC0, v31  }
0x106: {  	v3 =	vor.u32 v3, v4  }
0x107: {  	v3 =	vperm.xlane v3, v0;
	_ =	sdelay $0x1  }
0x108: {  	v3 =	vadd.s32 v1, v3;
	_ =	sdelay $0x3  }
0x109: {  	s28 =	simm.s32 $0xC280  }
0x10a: {  	[tilespmem:s28], [sflag:$0x1] =	stream.indirect_vreg.gather [hbm4b:s2+s3], $0x80, v3, vm0, $0xb8;
	[tilespmem:$0x1C280] =	vst v63  }
0x10b: {  	s29 =	simm.s32 $0xCA80  }
0x10c: {  	[tilespmem:s29], [sflag:$0x1] =	stream.indirect_vreg.gather [hbm4b:s4+s3], $0x80, v3, vm0, $0xb8;
	[tilespmem:$0x1C280] =	vst v63  }
0x10d: {  	s30 =	simm.s32 $0xD280  }
0x10e: {  	[tilespmem:s30], [sflag:$0x1] =	stream.indirect_vreg.gather [hbm4b:s5+s3], $0x80, v3, vm0, $0xb8;
	[tilespmem:$0x1C280] =	vst v63  }
0x10f: {  	s31 =	simm.s32 $0xDA80  }
0x110: {  	[tilespmem:s31], [sflag:$0x1] =	stream.indirect_vreg.gather [hbm4b:s6+s3], $0x80, v3, vm0, $0xb8;
	[tilespmem:$0x1C280] =	vst v63  }
0x111: {  	_ =	swait.ge [sflag:s16], $0xE000  }
0x112: {  	[sflag:s16] =	ssyncset.done $0x0  }
0x113: {  	s0 =	simm.s32 $0xE280;
	s18 =	rddreg [dreg:$0x6];
	[sflag:s16] =	ssyncadd.s32 $0xFFFF2000  }
0x114: {  	[hbm4b:s18+s3] =	stream.linear.scatter [tilespmem:s0], [sflag:$0x4], $0xE000, $0x38;
	[tilespmem:$0x1C280] =	vst v63  }
0x115: {  	_ =	swait.ge [sflag:s17], $0xE000  }
0x116: {  	[sflag:s17] =	ssyncset.done $0x0  }
0x117: {  	[sflag:s17] =	ssyncadd.s32 $0xFFFF2000  }
0x118: {  	v3 =	vld [tilespmem:$0xA8];
	_ =	sdelay $0x4  }
0x119: {  	v32 =	vshll.u32 v3, $0x3  }
0x11a: {  	v3 =	vand.u32 $0x7, v3;
	v4 =	vand.u32 $0xFFFFFFC0, v32  }
0x11b: {  	v3 =	vor.u32 v3, v4  }
0x11c: {  	v4 =	vperm.xlane v3, v0;
	_ =	sdelay $0x1  }
0x11d: {  	v4 =	vadd.s32 v1, v4;
	_ =	sdelay $0x4  }
0x11e: {  	[tilespmem:s0], [sflag:$0x2] =	stream.indirect_vreg.gather [hbm4b:s2+s3], $0x80, v4, vm0, $0xb8;
	[tilespmem:$0x1C280] =	vst v63  }
0x11f: {  	s7 =	simm.s32 $0xEA80;
	v3 =	vperm.xlane v3, v2  }
0x120: {  	[tilespmem:s7], [sflag:$0x2] =	stream.indirect_vreg.gather [hbm4b:s4+s3], $0x80, v4, vm0, $0xb8;
	[tilespmem:$0x1C280] =	vst v63  }
0x121: {  	s31 =	simm.s32 $0xF280;
	v3 =	vadd.s32 v1, v3  }
0x122: {  	[tilespmem:s31], [sflag:$0x2] =	stream.indirect_vreg.gather [hbm4b:s5+s3], $0x80, v4, vm0, $0xb8;
	[tilespmem:$0x1C280] =	vst v63  }
0x123: {  	s7 =	simm.s32 $0xFA80  }
0x124: {  	[tilespmem:s7], [sflag:$0x2] =	stream.indirect_vreg.gather [hbm4b:s6+s3], $0x80, v4, vm0, $0xb8;
	[tilespmem:$0x1C280] =	vst v63  }
0x125: {  	s7 =	simm.s32 $0x10280  }
0x126: {  	[tilespmem:s7], [sflag:$0x2] =	stream.indirect_vreg.gather [hbm4b:s2+s3], $0x80, v3, vm0, $0xb8;
	[tilespmem:$0x1C280] =	vst v63  }
0x127: {  	s18 =	simm.s32 $0x10A80  }
0x128: {  	[tilespmem:s18], [sflag:$0x2] =	stream.indirect_vreg.gather [hbm4b:s4+s3], $0x80, v3, vm0, $0xb8;
	[tilespmem:$0x1C280] =	vst v63  }
0x129: {  	s18 =	simm.s32 $0x11280  }
0x12a: {  	[tilespmem:s18], [sflag:$0x2] =	stream.indirect_vreg.gather [hbm4b:s5+s3], $0x80, v3, vm0, $0xb8;
	[tilespmem:$0x1C280] =	vst v63  }
0x12b: {  	s9 =	simm.s32 $0x11A80  }
0x12c: {  	[tilespmem:s9], [sflag:$0x2] =	stream.indirect_vreg.gather [hbm4b:s6+s3], $0x80, v3, vm0, $0xb8;
	[tilespmem:$0x1C280] =	vst v63  }
0x12d: {  	v3 =	vld [tilespmem:$0xB8];
	_ =	sdelay $0x4  }
0x12e: {  	v33 =	vshll.u32 v3, $0x3  }
0x12f: {  	v3 =	vand.u32 $0x7, v3;
	v4 =	vand.u32 $0xFFFFFFC0, v33  }
0x130: {  	v3 =	vor.u32 v3, v4  }
0x131: {  	v4 =	vperm.xlane v3, v0;
	_ =	sdelay $0x1  }
0x132: {  	v4 =	vadd.s32 v1, v4;
	_ =	sdelay $0x3  }
0x133: {  	s9 =	simm.s32 $0x12280  }
0x134: {  	[tilespmem:s9], [sflag:$0x2] =	stream.indirect_vreg.gather [hbm4b:s2+s3], $0x80, v4, vm0, $0xb8;
	[tilespmem:$0x1C280] =	vst v63  }
0x135: {  	s18 =	simm.s32 $0x12A80;
	v3 =	vperm.xlane v3, v2  }
0x136: {  	[tilespmem:s18], [sflag:$0x2] =	stream.indirect_vreg.gather [hbm4b:s4+s3], $0x80, v4, vm0, $0xb8;
	[tilespmem:$0x1C280] =	vst v63  }
0x137: {  	v3 =	vadd.s32 v1, v3;
	s9 =	simm.s32 $0x13280  }
0x138: {  	[tilespmem:s9], [sflag:$0x2] =	stream.indirect_vreg.gather [hbm4b:s5+s3], $0x80, v4, vm0, $0xb8;
	[tilespmem:$0x1C280] =	vst v63  }
0x139: {  	s18 =	simm.s32 $0x13A80  }
0x13a: {  	[tilespmem:s18], [sflag:$0x2] =	stream.indirect_vreg.gather [hbm4b:s6+s3], $0x80, v4, vm0, $0xb8;
	[tilespmem:$0x1C280] =	vst v63  }
0x13b: {  	s9 =	simm.s32 $0x14280  }
0x13c: {  	[tilespmem:s9], [sflag:$0x2] =	stream.indirect_vreg.gather [hbm4b:s2+s3], $0x80, v3, vm0, $0xb8;
	[tilespmem:$0x1C280] =	vst v63  }
0x13d: {  	s18 =	simm.s32 $0x14A80  }
0x13e: {  	[tilespmem:s18], [sflag:$0x2] =	stream.indirect_vreg.gather [hbm4b:s4+s3], $0x80, v3, vm0, $0xb8;
	[tilespmem:$0x1C280] =	vst v63  }
0x13f: {  	s9 =	simm.s32 $0x15280  }
0x140: {  	[tilespmem:s9], [sflag:$0x2] =	stream.indirect_vreg.gather [hbm4b:s5+s3], $0x80, v3, vm0, $0xb8;
	[tilespmem:$0x1C280] =	vst v63  }
0x141: {  	s18 =	simm.s32 $0x15A80  }
0x142: {  	[tilespmem:s18], [sflag:$0x2] =	stream.indirect_vreg.gather [hbm4b:s6+s3], $0x80, v3, vm0, $0xb8;
	[tilespmem:$0x1C280] =	vst v63  }
0x143: {  	v3 =	vld [tilespmem:$0xC8];
	_ =	sdelay $0x4  }
0x144: {  	v34 =	vshll.u32 v3, $0x3  }
0x145: {  	v3 =	vand.u32 $0x7, v3;
	v4 =	vand.u32 $0xFFFFFFC0, v34  }
0x146: {  	v3 =	vor.u32 v3, v4  }
0x147: {  	v4 =	vperm.xlane v3, v0;
	_ =	sdelay $0x1  }
0x148: {  	v4 =	vadd.s32 v1, v4;
	_ =	sdelay $0x3  }
0x149: {  	s9 =	simm.s32 $0x16280  }
0x14a: {  	[tilespmem:s9], [sflag:$0x2] =	stream.indirect_vreg.gather [hbm4b:s2+s3], $0x80, v4, vm0, $0xb8;
	[tilespmem:$0x1C280] =	vst v63  }
0x14b: {  	s18 =	simm.s32 $0x16A80;
	v3 =	vperm.xlane v3, v2  }
0x14c: {  	[tilespmem:s18], [sflag:$0x2] =	stream.indirect_vreg.gather [hbm4b:s4+s3], $0x80, v4, vm0, $0xb8;
	[tilespmem:$0x1C280] =	vst v63  }
0x14d: {  	v3 =	vadd.s32 v1, v3;
	s9 =	simm.s32 $0x17280  }
0x14e: {  	[tilespmem:s9], [sflag:$0x2] =	stream.indirect_vreg.gather [hbm4b:s5+s3], $0x80, v4, vm0, $0xb8;
	[tilespmem:$0x1C280] =	vst v63  }
0x14f: {  	s18 =	simm.s32 $0x17A80  }
0x150: {  	[tilespmem:s18], [sflag:$0x2] =	stream.indirect_vreg.gather [hbm4b:s6+s3], $0x80, v4, vm0, $0xb8;
	[tilespmem:$0x1C280] =	vst v63  }
0x151: {  	s9 =	simm.s32 $0x18280  }
0x152: {  	[tilespmem:s9], [sflag:$0x2] =	stream.indirect_vreg.gather [hbm4b:s2+s3], $0x80, v3, vm0, $0xb8;
	[tilespmem:$0x1C280] =	vst v63  }
0x153: {  	s18 =	simm.s32 $0x18A80  }
0x154: {  	[tilespmem:s18], [sflag:$0x2] =	stream.indirect_vreg.gather [hbm4b:s4+s3], $0x80, v3, vm0, $0xb8;
	[tilespmem:$0x1C280] =	vst v63  }
0x155: {  	s9 =	simm.s32 $0x19280  }
0x156: {  	[tilespmem:s9], [sflag:$0x2] =	stream.indirect_vreg.gather [hbm4b:s5+s3], $0x80, v3, vm0, $0xb8;
	[tilespmem:$0x1C280] =	vst v63  }
0x157: {  	s18 =	simm.s32 $0x19A80  }
0x158: {  	[tilespmem:s18], [sflag:$0x2] =	stream.indirect_vreg.gather [hbm4b:s6+s3], $0x80, v3, vm0, $0xb8;
	[tilespmem:$0x1C280] =	vst v63  }
0x159: {  	v3 =	vld.msk [tilespmem:$0xD8], $0xff;
	_ =	sdelay $0x4  }
0x15a: {  	v35 =	vshll.u32 v3, $0x3  }
0x15b: {  	v3 =	vand.u32 $0x7, v3;
	v4 =	vand.u32 $0xFFFFFFC0, v35  }
0x15c: {  	v3 =	vor.u32 v3, v4  }
0x15d: {  	v3 =	vperm.xlane v3, v0;
	_ =	sdelay $0x1  }
0x15e: {  	v3 =	vadd.s32 v1, v3;
	_ =	sdelay $0x3  }
0x15f: {  	s9 =	simm.s32 $0x1A280  }
0x160: {  	[tilespmem:s9], [sflag:$0x2] =	stream.indirect_vreg.gather [hbm4b:s2+s3], $0x80, v3, vm0, $0xb8;
	[tilespmem:$0x1C280] =	vst v63  }
0x161: {  	s18 =	simm.s32 $0x1AA80  }
0x162: {  	[tilespmem:s18], [sflag:$0x2] =	stream.indirect_vreg.gather [hbm4b:s4+s3], $0x80, v3, vm0, $0xb8;
	[tilespmem:$0x1C280] =	vst v63  }
0x163: {  	s9 =	simm.s32 $0x1B280  }
0x164: {  	[tilespmem:s9], [sflag:$0x2] =	stream.indirect_vreg.gather [hbm4b:s5+s3], $0x80, v3, vm0, $0xb8;
	[tilespmem:$0x1C280] =	vst v63  }
0x165: {  	s18 =	simm.s32 $0x1BA80  }
0x166: {  	[tilespmem:s18], [sflag:$0x2] =	stream.indirect_vreg.gather [hbm4b:s6+s3], $0x80, v3, vm0, $0xb8;
	[tilespmem:$0x1C280] =	vst v63  }
0x167: {  	_ =	swait.ge [sflag:s14], $0xE000  }
0x168: {  	[sflag:s14] =	ssyncset.done $0x0  }
0x169: {  	s9 =	simm.s32 $0x280;
	s0 =	rddreg [dreg:$0x7];
	[sflag:s14] =	ssyncadd.s32 $0xFFFF2000  }
0x16a: {  	[hbm4b:s0+s3] =	stream.linear.scatter [tilespmem:s9], [sflag:$0x3], $0xE000, $0x38;
	[tilespmem:$0x1C280] =	vst v63  }
0x16b: {  	_ =	swait.ge [sflag:s15], $0xE000  }
0x16c: {  	[sflag:s15] =	ssyncset.done $0x0  }
0x16d: {  	[sflag:s15] =	ssyncadd.s32 $0xFFFF2000  }
0x16e: {  	v3 =	vld [tilespmem:$0xE0];
	_ =	sdelay $0x4  }
0x16f: {  	v36 =	vshll.u32 v3, $0x3  }
0x170: {  	v3 =	vand.u32 $0x7, v3;
	v4 =	vand.u32 $0xFFFFFFC0, v36  }
0x171: {  	v3 =	vor.u32 v3, v4  }
0x172: {  	v4 =	vperm.xlane v3, v0;
	_ =	sdelay $0x1  }
0x173: {  	v4 =	vadd.s32 v1, v4;
	_ =	sdelay $0x4  }
0x174: {  	[tilespmem:s9], [sflag:$0x1] =	stream.indirect_vreg.gather [hbm4b:s2+s3], $0x80, v4, vm0, $0xb8;
	[tilespmem:$0x1C280] =	vst v63  }
0x175: {  	s18 =	simm.s32 $0xA80;
	v3 =	vperm.xlane v3, v2  }
0x176: {  	[tilespmem:s18], [sflag:$0x1] =	stream.indirect_vreg.gather [hbm4b:s4+s3], $0x80, v4, vm0, $0xb8;
	[tilespmem:$0x1C280] =	vst v63  }
0x177: {  	v3 =	vadd.s32 v1, v3;
	s9 =	simm.s32 $0x1280  }
0x178: {  	[tilespmem:s9], [sflag:$0x1] =	stream.indirect_vreg.gather [hbm4b:s5+s3], $0x80, v4, vm0, $0xb8;
	[tilespmem:$0x1C280] =	vst v63  }
0x179: {  	_ = 	snop  }
0x17a: {  	[tilespmem:s1], [sflag:$0x1] =	stream.indirect_vreg.gather [hbm4b:s6+s3], $0x80, v4, vm0, $0xb8;
	[tilespmem:$0x1C280] =	vst v63  }
0x17b: {  	_ = 	snop  }
0x17c: {  	[tilespmem:s13], [sflag:$0x1] =	stream.indirect_vreg.gather [hbm4b:s2+s3], $0x80, v3, vm0, $0xb8;
	[tilespmem:$0x1C280] =	vst v63  }
0x17d: {  	_ = 	snop  }
0x17e: {  	[tilespmem:s8], [sflag:$0x1] =	stream.indirect_vreg.gather [hbm4b:s4+s3], $0x80, v3, vm0, $0xb8;
	[tilespmem:$0x1C280] =	vst v63  }
0x17f: {  	_ = 	snop  }
0x180: {  	[tilespmem:s10], [sflag:$0x1] =	stream.indirect_vreg.gather [hbm4b:s5+s3], $0x80, v3, vm0, $0xb8;
	[tilespmem:$0x1C280] =	vst v63  }
0x181: {  	s10 =	simm.s32 $0x3A80  }
0x182: {  	[tilespmem:s10], [sflag:$0x1] =	stream.indirect_vreg.gather [hbm4b:s6+s3], $0x80, v3, vm0, $0xb8;
	[tilespmem:$0x1C280] =	vst v63  }
0x183: {  	v3 =	vld [tilespmem:$0xF0];
	_ =	sdelay $0x4  }
0x184: {  	v37 =	vshll.u32 v3, $0x3  }
0x185: {  	v3 =	vand.u32 $0x7, v3;
	v4 =	vand.u32 $0xFFFFFFC0, v37  }
0x186: {  	v3 =	vor.u32 v3, v4  }
0x187: {  	v4 =	vperm.xlane v3, v0;
	_ =	sdelay $0x1  }
0x188: {  	v4 =	vadd.s32 v1, v4;
	_ =	sdelay $0x3  }
0x189: {  	s13 =	simm.s32 $0x4280  }
0x18a: {  	[tilespmem:s13], [sflag:$0x1] =	stream.indirect_vreg.gather [hbm4b:s2+s3], $0x80, v4, vm0, $0xb8;
	[tilespmem:$0x1C280] =	vst v63  }
0x18b: {  	s18 =	simm.s32 $0x4A80;
	v3 =	vperm.xlane v3, v2  }
0x18c: {  	[tilespmem:s18], [sflag:$0x1] =	stream.indirect_vreg.gather [hbm4b:s4+s3], $0x80, v4, vm0, $0xb8;
	[tilespmem:$0x1C280] =	vst v63  }
0x18d: {  	v3 =	vadd.s32 v1, v3  }
0x18e: {  	[tilespmem:s11], [sflag:$0x1] =	stream.indirect_vreg.gather [hbm4b:s5+s3], $0x80, v4, vm0, $0xb8;
	[tilespmem:$0x1C280] =	vst v63  }
0x18f: {  	_ = 	snop  }
0x190: {  	[tilespmem:s12], [sflag:$0x1] =	stream.indirect_vreg.gather [hbm4b:s6+s3], $0x80, v4, vm0, $0xb8;
	[tilespmem:$0x1C280] =	vst v63  }
0x191: {  	_ = 	snop  }
0x192: {  	[tilespmem:s19], [sflag:$0x1] =	stream.indirect_vreg.gather [hbm4b:s2+s3], $0x80, v3, vm0, $0xb8;
	[tilespmem:$0x1C280] =	vst v63  }
0x193: {  	_ = 	snop  }
0x194: {  	[tilespmem:s20], [sflag:$0x1] =	stream.indirect_vreg.gather [hbm4b:s4+s3], $0x80, v3, vm0, $0xb8;
	[tilespmem:$0x1C280] =	vst v63  }
0x195: {  	_ = 	snop  }
0x196: {  	[tilespmem:s21], [sflag:$0x1] =	stream.indirect_vreg.gather [hbm4b:s5+s3], $0x80, v3, vm0, $0xb8;
	[tilespmem:$0x1C280] =	vst v63  }
0x197: {  	s1 =	simm.s32 $0x7A80  }
0x198: {  	[tilespmem:s1], [sflag:$0x1] =	stream.indirect_vreg.gather [hbm4b:s6+s3], $0x80, v3, vm0, $0xb8;
	[tilespmem:$0x1C280] =	vst v63  }
0x199: {  	v3 =	vld [tilespmem:$0x100];
	_ =	sdelay $0x4  }
0x19a: {  	v38 =	vshll.u32 v3, $0x3  }
0x19b: {  	v3 =	vand.u32 $0x7, v3;
	v4 =	vand.u32 $0xFFFFFFC0, v38  }
0x19c: {  	v3 =	vor.u32 v3, v4  }
0x19d: {  	v4 =	vperm.xlane v3, v0;
	_ =	sdelay $0x1  }
0x19e: {  	v4 =	vadd.s32 v1, v4;
	_ =	sdelay $0x3  }
0x19f: {  	s11 =	simm.s32 $0x8280  }
0x1a0: {  	[tilespmem:s11], [sflag:$0x1] =	stream.indirect_vreg.gather [hbm4b:s2+s3], $0x80, v4, vm0, $0xb8;
	[tilespmem:$0x1C280] =	vst v63  }
0x1a1: {  	s12 =	simm.s32 $0x8A80;
	v3 =	vperm.xlane v3, v2  }
0x1a2: {  	[tilespmem:s12], [sflag:$0x1] =	stream.indirect_vreg.gather [hbm4b:s4+s3], $0x80, v4, vm0, $0xb8;
	[tilespmem:$0x1C280] =	vst v63  }
0x1a3: {  	v3 =	vadd.s32 v1, v3  }
0x1a4: {  	[tilespmem:s22], [sflag:$0x1] =	stream.indirect_vreg.gather [hbm4b:s5+s3], $0x80, v4, vm0, $0xb8;
	[tilespmem:$0x1C280] =	vst v63  }
0x1a5: {  	_ = 	snop  }
0x1a6: {  	[tilespmem:s23], [sflag:$0x1] =	stream.indirect_vreg.gather [hbm4b:s6+s3], $0x80, v4, vm0, $0xb8;
	[tilespmem:$0x1C280] =	vst v63  }
0x1a7: {  	_ = 	snop  }
0x1a8: {  	[tilespmem:s24], [sflag:$0x1] =	stream.indirect_vreg.gather [hbm4b:s2+s3], $0x80, v3, vm0, $0xb8;
	[tilespmem:$0x1C280] =	vst v63  }
0x1a9: {  	_ = 	snop  }
0x1aa: {  	[tilespmem:s25], [sflag:$0x1] =	stream.indirect_vreg.gather [hbm4b:s4+s3], $0x80, v3, vm0, $0xb8;
	[tilespmem:$0x1C280] =	vst v63  }
0x1ab: {  	_ = 	snop  }
0x1ac: {  	[tilespmem:s26], [sflag:$0x1] =	stream.indirect_vreg.gather [hbm4b:s5+s3], $0x80, v3, vm0, $0xb8;
	[tilespmem:$0x1C280] =	vst v63  }
0x1ad: {  	s8 =	simm.s32 $0xBA80  }
0x1ae: {  	[tilespmem:s8], [sflag:$0x1] =	stream.indirect_vreg.gather [hbm4b:s6+s3], $0x80, v3, vm0, $0xb8;
	[tilespmem:$0x1C280] =	vst v63  }
0x1af: {  	v3 =	vld.msk [tilespmem:$0x110], $0xff;
	_ =	sdelay $0x4  }
0x1b0: {  	v39 =	vshll.u32 v3, $0x3  }
0x1b1: {  	v3 =	vand.u32 $0x7, v3;
	v4 =	vand.u32 $0xFFFFFFC0, v39  }
0x1b2: {  	v3 =	vor.u32 v3, v4  }
0x1b3: {  	v3 =	vperm.xlane v3, v0;
	_ =	sdelay $0x1  }
0x1b4: {  	v3 =	vadd.s32 v1, v3;
	_ =	sdelay $0x4  }
0x1b5: {  	[tilespmem:s28], [sflag:$0x1] =	stream.indirect_vreg.gather [hbm4b:s2+s3], $0x80, v3, vm0, $0xb8;
	[tilespmem:$0x1C280] =	vst v63  }
0x1b6: {  	_ = 	snop  }
0x1b7: {  	[tilespmem:s29], [sflag:$0x1] =	stream.indirect_vreg.gather [hbm4b:s4+s3], $0x80, v3, vm0, $0xb8;
	[tilespmem:$0x1C280] =	vst v63  }
0x1b8: {  	_ = 	snop  }
0x1b9: {  	[tilespmem:s30], [sflag:$0x1] =	stream.indirect_vreg.gather [hbm4b:s5+s3], $0x80, v3, vm0, $0xb8;
	[tilespmem:$0x1C280] =	vst v63  }
0x1ba: {  	s9 =	simm.s32 $0xDA80  }
0x1bb: {  	[tilespmem:s9], [sflag:$0x1] =	stream.indirect_vreg.gather [hbm4b:s6+s3], $0x80, v3, vm0, $0xb8;
	[tilespmem:$0x1C280] =	vst v63  }
0x1bc: {  	_ =	swait.ge [sflag:s16], $0xE000  }
0x1bd: {  	[sflag:s16] =	ssyncset.done $0x0  }
0x1be: {  	s24 =	simm.s32 $0xE280;
	s23 =	rddreg [dreg:$0x8];
	[sflag:s16] =	ssyncadd.s32 $0xFFFF2000  }
0x1bf: {  	[hbm4b:s23+s3] =	stream.linear.scatter [tilespmem:s24], [sflag:$0x4], $0xE000, $0x38;
	[tilespmem:$0x1C280] =	vst v63  }
0x1c0: {  	_ =	swait.ge [sflag:s17], $0xE000  }
0x1c1: {  	[sflag:s17] =	ssyncset.done $0x0  }
0x1c2: {  	[sflag:s17] =	ssyncadd.s32 $0xFFFF2000  }
0x1c3: {  	v3 =	vld [tilespmem:$0x118];
	_ =	sdelay $0x4  }
0x1c4: {  	v40 =	vshll.u32 v3, $0x3  }
0x1c5: {  	v3 =	vand.u32 $0x7, v3;
	v4 =	vand.u32 $0xFFFFFFC0, v40  }
0x1c6: {  	v3 =	vor.u32 v3, v4  }
0x1c7: {  	v4 =	vperm.xlane v3, v0;
	_ =	sdelay $0x1  }
0x1c8: {  	v4 =	vadd.s32 v1, v4;
	_ =	sdelay $0x4  }
0x1c9: {  	[tilespmem:s24], [sflag:$0x2] =	stream.indirect_vreg.gather [hbm4b:s2+s3], $0x80, v4, vm0, $0xb8;
	[tilespmem:$0x1C280] =	vst v63  }
0x1ca: {  	s25 =	simm.s32 $0xEA80;
	v3 =	vperm.xlane v3, v2  }
0x1cb: {  	[tilespmem:s25], [sflag:$0x2] =	stream.indirect_vreg.gather [hbm4b:s4+s3], $0x80, v4, vm0, $0xb8;
	[tilespmem:$0x1C280] =	vst v63  }
0x1cc: {  	v3 =	vadd.s32 v1, v3  }
0x1cd: {  	[tilespmem:s31], [sflag:$0x2] =	stream.indirect_vreg.gather [hbm4b:s5+s3], $0x80, v4, vm0, $0xb8;
	[tilespmem:$0x1C280] =	vst v63  }
0x1ce: {  	s26 =	simm.s32 $0xFA80  }
0x1cf: {  	[tilespmem:s26], [sflag:$0x2] =	stream.indirect_vreg.gather [hbm4b:s6+s3], $0x80, v4, vm0, $0xb8;
	[tilespmem:$0x1C280] =	vst v63  }
0x1d0: {  	_ = 	snop  }
0x1d1: {  	[tilespmem:s7], [sflag:$0x2] =	stream.indirect_vreg.gather [hbm4b:s2+s3], $0x80, v3, vm0, $0xb8;
	[tilespmem:$0x1C280] =	vst v63  }
0x1d2: {  	s7 =	simm.s32 $0x10A80  }
0x1d3: {  	[tilespmem:s7], [sflag:$0x2] =	stream.indirect_vreg.gather [hbm4b:s4+s3], $0x80, v3, vm0, $0xb8;
	[tilespmem:$0x1C280] =	vst v63  }
0x1d4: {  	s19 =	simm.s32 $0x11280  }
0x1d5: {  	[tilespmem:s19], [sflag:$0x2] =	stream.indirect_vreg.gather [hbm4b:s5+s3], $0x80, v3, vm0, $0xb8;
	[tilespmem:$0x1C280] =	vst v63  }
0x1d6: {  	s28 =	simm.s32 $0x11A80  }
0x1d7: {  	[tilespmem:s28], [sflag:$0x2] =	stream.indirect_vreg.gather [hbm4b:s6+s3], $0x80, v3, vm0, $0xb8;
	[tilespmem:$0x1C280] =	vst v63  }
0x1d8: {  	v3 =	vld [tilespmem:$0x128];
	_ =	sdelay $0x4  }
0x1d9: {  	v41 =	vshll.u32 v3, $0x3  }
0x1da: {  	v3 =	vand.u32 $0x7, v3;
	v4 =	vand.u32 $0xFFFFFFC0, v41  }
0x1db: {  	v3 =	vor.u32 v3, v4  }
0x1dc: {  	v4 =	vperm.xlane v3, v0;
	_ =	sdelay $0x1  }
0x1dd: {  	v4 =	vadd.s32 v1, v4;
	_ =	sdelay $0x3  }
0x1de: {  	s29 =	simm.s32 $0x12280  }
0x1df: {  	[tilespmem:s29], [sflag:$0x2] =	stream.indirect_vreg.gather [hbm4b:s2+s3], $0x80, v4, vm0, $0xb8;
	[tilespmem:$0x1C280] =	vst v63  }
0x1e0: {  	s30 =	simm.s32 $0x12A80;
	v3 =	vperm.xlane v3, v2  }
0x1e1: {  	[tilespmem:s30], [sflag:$0x2] =	stream.indirect_vreg.gather [hbm4b:s4+s3], $0x80, v4, vm0, $0xb8;
	[tilespmem:$0x1C280] =	vst v63  }
0x1e2: {  	s31 =	simm.s32 $0x13280;
	v3 =	vadd.s32 v1, v3  }
0x1e3: {  	[tilespmem:s31], [sflag:$0x2] =	stream.indirect_vreg.gather [hbm4b:s5+s3], $0x80, v4, vm0, $0xb8;
	[tilespmem:$0x1C280] =	vst v63  }
0x1e4: {  	s20 =	simm.s32 $0x13A80  }
0x1e5: {  	[tilespmem:s20], [sflag:$0x2] =	stream.indirect_vreg.gather [hbm4b:s6+s3], $0x80, v4, vm0, $0xb8;
	[tilespmem:$0x1C280] =	vst v63  }
0x1e6: {  	s21 =	simm.s32 $0x14280  }
0x1e7: {  	[tilespmem:s21], [sflag:$0x2] =	stream.indirect_vreg.gather [hbm4b:s2+s3], $0x80, v3, vm0, $0xb8;
	[tilespmem:$0x1C280] =	vst v63  }
0x1e8: {  	s22 =	simm.s32 $0x14A80  }
0x1e9: {  	[tilespmem:s22], [sflag:$0x2] =	stream.indirect_vreg.gather [hbm4b:s4+s3], $0x80, v3, vm0, $0xb8;
	[tilespmem:$0x1C280] =	vst v63  }
0x1ea: {  	s23 =	simm.s32 $0x15280  }
0x1eb: {  	[tilespmem:s23], [sflag:$0x2] =	stream.indirect_vreg.gather [hbm4b:s5+s3], $0x80, v3, vm0, $0xb8;
	[tilespmem:$0x1C280] =	vst v63  }
0x1ec: {  	s24 =	simm.s32 $0x15A80  }
0x1ed: {  	[tilespmem:s24], [sflag:$0x2] =	stream.indirect_vreg.gather [hbm4b:s6+s3], $0x80, v3, vm0, $0xb8;
	[tilespmem:$0x1C280] =	vst v63  }
0x1ee: {  	v3 =	vld [tilespmem:$0x138];
	_ =	sdelay $0x4  }
0x1ef: {  	v42 =	vshll.u32 v3, $0x3  }
0x1f0: {  	v3 =	vand.u32 $0x7, v3;
	v4 =	vand.u32 $0xFFFFFFC0, v42  }
0x1f1: {  	v3 =	vor.u32 v3, v4  }
0x1f2: {  	v4 =	vperm.xlane v3, v0;
	_ =	sdelay $0x1  }
0x1f3: {  	v4 =	vadd.s32 v1, v4;
	_ =	sdelay $0x3  }
0x1f4: {  	s25 =	simm.s32 $0x16280  }
0x1f5: {  	[tilespmem:s25], [sflag:$0x2] =	stream.indirect_vreg.gather [hbm4b:s2+s3], $0x80, v4, vm0, $0xb8;
	[tilespmem:$0x1C280] =	vst v63  }
0x1f6: {  	s26 =	simm.s32 $0x16A80;
	v3 =	vperm.xlane v3, v2  }
0x1f7: {  	[tilespmem:s26], [sflag:$0x2] =	stream.indirect_vreg.gather [hbm4b:s4+s3], $0x80, v4, vm0, $0xb8;
	[tilespmem:$0x1C280] =	vst v63  }
0x1f8: {  	s28 =	simm.s32 $0x17280;
	v3 =	vadd.s32 v1, v3  }
0x1f9: {  	[tilespmem:s28], [sflag:$0x2] =	stream.indirect_vreg.gather [hbm4b:s5+s3], $0x80, v4, vm0, $0xb8;
	[tilespmem:$0x1C280] =	vst v63  }
0x1fa: {  	s29 =	simm.s32 $0x17A80  }
0x1fb: {  	[tilespmem:s29], [sflag:$0x2] =	stream.indirect_vreg.gather [hbm4b:s6+s3], $0x80, v4, vm0, $0xb8;
	[tilespmem:$0x1C280] =	vst v63  }
0x1fc: {  	s30 =	simm.s32 $0x18280  }
0x1fd: {  	[tilespmem:s30], [sflag:$0x2] =	stream.indirect_vreg.gather [hbm4b:s2+s3], $0x80, v3, vm0, $0xb8;
	[tilespmem:$0x1C280] =	vst v63  }
0x1fe: {  	s31 =	simm.s32 $0x18A80  }
0x1ff: {  	[tilespmem:s31], [sflag:$0x2] =	stream.indirect_vreg.gather [hbm4b:s4+s3], $0x80, v3, vm0, $0xb8;
	[tilespmem:$0x1C280] =	vst v63  }
0x200: {  	s20 =	simm.s32 $0x19280  }
0x201: {  	[tilespmem:s20], [sflag:$0x2] =	stream.indirect_vreg.gather [hbm4b:s5+s3], $0x80, v3, vm0, $0xb8;
	[tilespmem:$0x1C280] =	vst v63  }
0x202: {  	s21 =	simm.s32 $0x19A80  }
0x203: {  	[tilespmem:s21], [sflag:$0x2] =	stream.indirect_vreg.gather [hbm4b:s6+s3], $0x80, v3, vm0, $0xb8;
	[tilespmem:$0x1C280] =	vst v63  }
0x204: {  	v3 =	vld.msk [tilespmem:$0x148], $0xff;
	_ =	sdelay $0x4  }
0x205: {  	v43 =	vshll.u32 v3, $0x3  }
0x206: {  	v3 =	vand.u32 $0x7, v3;
	v4 =	vand.u32 $0xFFFFFFC0, v43  }
0x207: {  	v3 =	vor.u32 v3, v4  }
0x208: {  	v3 =	vperm.xlane v3, v0;
	_ =	sdelay $0x1  }
0x209: {  	v3 =	vadd.s32 v1, v3;
	_ =	sdelay $0x3  }
0x20a: {  	s22 =	simm.s32 $0x1A280  }
0x20b: {  	[tilespmem:s22], [sflag:$0x2] =	stream.indirect_vreg.gather [hbm4b:s2+s3], $0x80, v3, vm0, $0xb8;
	[tilespmem:$0x1C280] =	vst v63  }
0x20c: {  	s23 =	simm.s32 $0x1AA80  }
0x20d: {  	[tilespmem:s23], [sflag:$0x2] =	stream.indirect_vreg.gather [hbm4b:s4+s3], $0x80, v3, vm0, $0xb8;
	[tilespmem:$0x1C280] =	vst v63  }
0x20e: {  	s24 =	simm.s32 $0x1B280  }
0x20f: {  	[tilespmem:s24], [sflag:$0x2] =	stream.indirect_vreg.gather [hbm4b:s5+s3], $0x80, v3, vm0, $0xb8;
	[tilespmem:$0x1C280] =	vst v63  }
0x210: {  	s25 =	simm.s32 $0x1BA80  }
0x211: {  	[tilespmem:s25], [sflag:$0x2] =	stream.indirect_vreg.gather [hbm4b:s6+s3], $0x80, v3, vm0, $0xb8;
	[tilespmem:$0x1C280] =	vst v63  }
0x212: {  	_ =	swait.ge [sflag:s14], $0xE000  }
0x213: {  	[sflag:s14] =	ssyncset.done $0x0  }
0x214: {  	s28 =	simm.s32 $0x280;
	s26 =	rddreg [dreg:$0x9];
	[sflag:s14] =	ssyncadd.s32 $0xFFFF2000  }
0x215: {  	[hbm4b:s26+s3] =	stream.linear.scatter [tilespmem:s28], [sflag:$0x3], $0xE000, $0x38;
	[tilespmem:$0x1C280] =	vst v63  }
0x216: {  	_ =	swait.ge [sflag:s15], $0xE000  }
0x217: {  	[sflag:s15] =	ssyncset.done $0x0  }
0x218: {  	[sflag:s15] =	ssyncadd.s32 $0xFFFF2000  }
0x219: {  	v3 =	vld [tilespmem:$0x150];
	_ =	sdelay $0x4  }
0x21a: {  	v44 =	vshll.u32 v3, $0x3  }
0x21b: {  	v3 =	vand.u32 $0x7, v3;
	v4 =	vand.u32 $0xFFFFFFC0, v44  }
0x21c: {  	v3 =	vor.u32 v3, v4  }
0x21d: {  	v4 =	vperm.xlane v3, v0;
	_ =	sdelay $0x1  }
0x21e: {  	v4 =	vadd.s32 v1, v4;
	_ =	sdelay $0x4  }
0x21f: {  	[tilespmem:s28], [sflag:$0x1] =	stream.indirect_vreg.gather [hbm4b:s2+s3], $0x80, v4, vm0, $0xb8;
	[tilespmem:$0x1C280] =	vst v63  }
0x220: {  	s29 =	simm.s32 $0xA80;
	v3 =	vperm.xlane v3, v2  }
0x221: {  	[tilespmem:s29], [sflag:$0x1] =	stream.indirect_vreg.gather [hbm4b:s4+s3], $0x80, v4, vm0, $0xb8;
	[tilespmem:$0x1C280] =	vst v63  }
0x222: {  	s20 =	simm.s32 $0x1280;
	v3 =	vadd.s32 v1, v3  }
0x223: {  	[tilespmem:s20], [sflag:$0x1] =	stream.indirect_vreg.gather [hbm4b:s5+s3], $0x80, v4, vm0, $0xb8;
	[tilespmem:$0x1C280] =	vst v63  }
0x224: {  	s21 =	simm.s32 $0x1A80  }
0x225: {  	[tilespmem:s21], [sflag:$0x1] =	stream.indirect_vreg.gather [hbm4b:s6+s3], $0x80, v4, vm0, $0xb8;
	[tilespmem:$0x1C280] =	vst v63  }
0x226: {  	s22 =	simm.s32 $0x2280  }
0x227: {  	[tilespmem:s22], [sflag:$0x1] =	stream.indirect_vreg.gather [hbm4b:s2+s3], $0x80, v3, vm0, $0xb8;
	[tilespmem:$0x1C280] =	vst v63  }
0x228: {  	s23 =	simm.s32 $0x2A80  }
0x229: {  	[tilespmem:s23], [sflag:$0x1] =	stream.indirect_vreg.gather [hbm4b:s4+s3], $0x80, v3, vm0, $0xb8;
	[tilespmem:$0x1C280] =	vst v63  }
0x22a: {  	s24 =	simm.s32 $0x3280  }
0x22b: {  	[tilespmem:s24], [sflag:$0x1] =	stream.indirect_vreg.gather [hbm4b:s5+s3], $0x80, v3, vm0, $0xb8;
	[tilespmem:$0x1C280] =	vst v63  }
0x22c: {  	_ = 	snop  }
0x22d: {  	[tilespmem:s10], [sflag:$0x1] =	stream.indirect_vreg.gather [hbm4b:s6+s3], $0x80, v3, vm0, $0xb8;
	[tilespmem:$0x1C280] =	vst v63  }
0x22e: {  	v3 =	vld [tilespmem:$0x160];
	_ =	sdelay $0x4  }
0x22f: {  	v45 =	vshll.u32 v3, $0x3  }
0x230: {  	v3 =	vand.u32 $0x7, v3;
	v4 =	vand.u32 $0xFFFFFFC0, v45  }
0x231: {  	v3 =	vor.u32 v3, v4  }
0x232: {  	v4 =	vperm.xlane v3, v0;
	_ =	sdelay $0x1  }
0x233: {  	v4 =	vadd.s32 v1, v4;
	_ =	sdelay $0x4  }
0x234: {  	[tilespmem:s13], [sflag:$0x1] =	stream.indirect_vreg.gather [hbm4b:s2+s3], $0x80, v4, vm0, $0xb8;
	[tilespmem:$0x1C280] =	vst v63  }
0x235: {  	s30 =	simm.s32 $0x4A80;
	v3 =	vperm.xlane v3, v2  }
0x236: {  	[tilespmem:s30], [sflag:$0x1] =	stream.indirect_vreg.gather [hbm4b:s4+s3], $0x80, v4, vm0, $0xb8;
	[tilespmem:$0x1C280] =	vst v63  }
0x237: {  	s31 =	simm.s32 $0x5280;
	v3 =	vadd.s32 v1, v3  }
0x238: {  	[tilespmem:s31], [sflag:$0x1] =	stream.indirect_vreg.gather [hbm4b:s5+s3], $0x80, v4, vm0, $0xb8;
	[tilespmem:$0x1C280] =	vst v63  }
0x239: {  	s10 =	simm.s32 $0x5A80  }
0x23a: {  	[tilespmem:s10], [sflag:$0x1] =	stream.indirect_vreg.gather [hbm4b:s6+s3], $0x80, v4, vm0, $0xb8;
	[tilespmem:$0x1C280] =	vst v63  }
0x23b: {  	s13 =	simm.s32 $0x6280  }
0x23c: {  	[tilespmem:s13], [sflag:$0x1] =	stream.indirect_vreg.gather [hbm4b:s2+s3], $0x80, v3, vm0, $0xb8;
	[tilespmem:$0x1C280] =	vst v63  }
0x23d: {  	s25 =	simm.s32 $0x6A80  }
0x23e: {  	[tilespmem:s25], [sflag:$0x1] =	stream.indirect_vreg.gather [hbm4b:s4+s3], $0x80, v3, vm0, $0xb8;
	[tilespmem:$0x1C280] =	vst v63  }
0x23f: {  	s26 =	simm.s32 $0x7280  }
0x240: {  	[tilespmem:s26], [sflag:$0x1] =	stream.indirect_vreg.gather [hbm4b:s5+s3], $0x80, v3, vm0, $0xb8;
	[tilespmem:$0x1C280] =	vst v63  }
0x241: {  	_ = 	snop  }
0x242: {  	[tilespmem:s1], [sflag:$0x1] =	stream.indirect_vreg.gather [hbm4b:s6+s3], $0x80, v3, vm0, $0xb8;
	[tilespmem:$0x1C280] =	vst v63  }
0x243: {  	v3 =	vld [tilespmem:$0x170];
	_ =	sdelay $0x4  }
0x244: {  	v46 =	vshll.u32 v3, $0x3  }
0x245: {  	v3 =	vand.u32 $0x7, v3;
	v4 =	vand.u32 $0xFFFFFFC0, v46  }
0x246: {  	v3 =	vor.u32 v3, v4  }
0x247: {  	v4 =	vperm.xlane v3, v0;
	_ =	sdelay $0x1  }
0x248: {  	v4 =	vadd.s32 v1, v4;
	_ =	sdelay $0x4  }
0x249: {  	[tilespmem:s11], [sflag:$0x1] =	stream.indirect_vreg.gather [hbm4b:s2+s3], $0x80, v4, vm0, $0xb8;
	[tilespmem:$0x1C280] =	vst v63  }
0x24a: {  	v3 =	vperm.xlane v3, v2  }
0x24b: {  	[tilespmem:s12], [sflag:$0x1] =	stream.indirect_vreg.gather [hbm4b:s4+s3], $0x80, v4, vm0, $0xb8;
	[tilespmem:$0x1C280] =	vst v63  }
0x24c: {  	s1 =	simm.s32 $0x9280;
	v3 =	vadd.s32 v1, v3  }
0x24d: {  	[tilespmem:s1], [sflag:$0x1] =	stream.indirect_vreg.gather [hbm4b:s5+s3], $0x80, v4, vm0, $0xb8;
	[tilespmem:$0x1C280] =	vst v63  }
0x24e: {  	s11 =	simm.s32 $0x9A80  }
0x24f: {  	[tilespmem:s11], [sflag:$0x1] =	stream.indirect_vreg.gather [hbm4b:s6+s3], $0x80, v4, vm0, $0xb8;
	[tilespmem:$0x1C280] =	vst v63  }
0x250: {  	s12 =	simm.s32 $0xA280  }
0x251: {  	[tilespmem:s12], [sflag:$0x1] =	stream.indirect_vreg.gather [hbm4b:s2+s3], $0x80, v3, vm0, $0xb8;
	[tilespmem:$0x1C280] =	vst v63  }
0x252: {  	s28 =	simm.s32 $0xAA80  }
0x253: {  	[tilespmem:s28], [sflag:$0x1] =	stream.indirect_vreg.gather [hbm4b:s4+s3], $0x80, v3, vm0, $0xb8;
	[tilespmem:$0x1C280] =	vst v63  }
0x254: {  	s29 =	simm.s32 $0xB280  }
0x255: {  	[tilespmem:s29], [sflag:$0x1] =	stream.indirect_vreg.gather [hbm4b:s5+s3], $0x80, v3, vm0, $0xb8;
	[tilespmem:$0x1C280] =	vst v63  }
0x256: {  	_ = 	snop  }
0x257: {  	[tilespmem:s8], [sflag:$0x1] =	stream.indirect_vreg.gather [hbm4b:s6+s3], $0x80, v3, vm0, $0xb8;
	[tilespmem:$0x1C280] =	vst v63  }
0x258: {  	v3 =	vld.msk [tilespmem:$0x180], $0xff;
	_ =	sdelay $0x4  }
0x259: {  	v47 =	vshll.u32 v3, $0x3  }
0x25a: {  	v3 =	vand.u32 $0x7, v3;
	v4 =	vand.u32 $0xFFFFFFC0, v47  }
0x25b: {  	v3 =	vor.u32 v3, v4  }
0x25c: {  	v3 =	vperm.xlane v3, v0;
	_ =	sdelay $0x1  }
0x25d: {  	v3 =	vadd.s32 v1, v3;
	_ =	sdelay $0x3  }
0x25e: {  	s8 =	simm.s32 $0xC280  }
0x25f: {  	[tilespmem:s8], [sflag:$0x1] =	stream.indirect_vreg.gather [hbm4b:s2+s3], $0x80, v3, vm0, $0xb8;
	[tilespmem:$0x1C280] =	vst v63  }
0x260: {  	s30 =	simm.s32 $0xCA80  }
0x261: {  	[tilespmem:s30], [sflag:$0x1] =	stream.indirect_vreg.gather [hbm4b:s4+s3], $0x80, v3, vm0, $0xb8;
	[tilespmem:$0x1C280] =	vst v63  }
0x262: {  	s31 =	simm.s32 $0xD280  }
0x263: {  	[tilespmem:s31], [sflag:$0x1] =	stream.indirect_vreg.gather [hbm4b:s5+s3], $0x80, v3, vm0, $0xb8;
	[tilespmem:$0x1C280] =	vst v63  }
0x264: {  	_ = 	snop  }
0x265: {  	[tilespmem:s9], [sflag:$0x1] =	stream.indirect_vreg.gather [hbm4b:s6+s3], $0x80, v3, vm0, $0xb8;
	[tilespmem:$0x1C280] =	vst v63  }
0x266: {  	_ =	swait.ge [sflag:s16], $0xE000  }
0x267: {  	[sflag:s16] =	ssyncset.done $0x0  }
0x268: {  	s0 =	simm.s32 $0xE280;
	s9 =	rddreg [dreg:$0xa];
	[sflag:s16] =	ssyncadd.s32 $0xFFFF2000  }
0x269: {  	[hbm4b:s9+s3] =	stream.linear.scatter [tilespmem:s0], [sflag:$0x4], $0xE000, $0x38;
	[tilespmem:$0x1C280] =	vst v63  }
0x26a: {  	_ =	swait.ge [sflag:s17], $0xE000  }
0x26b: {  	[sflag:s17] =	ssyncset.done $0x0  }
0x26c: {  	[sflag:s17] =	ssyncadd.s32 $0xFFFF2000  }
0x26d: {  	v3 =	vld [tilespmem:$0x188];
	_ =	sdelay $0x4  }
0x26e: {  	v48 =	vshll.u32 v3, $0x3  }
0x26f: {  	v3 =	vand.u32 $0x7, v3;
	v4 =	vand.u32 $0xFFFFFFC0, v48  }
0x270: {  	v3 =	vor.u32 v3, v4  }
0x271: {  	v4 =	vperm.xlane v3, v0;
	_ =	sdelay $0x1  }
0x272: {  	v4 =	vadd.s32 v1, v4;
	_ =	sdelay $0x4  }
0x273: {  	[tilespmem:s0], [sflag:$0x2] =	stream.indirect_vreg.gather [hbm4b:s2+s3], $0x80, v4, vm0, $0xb8;
	[tilespmem:$0x1C280] =	vst v63  }
0x274: {  	v3 =	vperm.xlane v3, v2;
	s0 =	simm.s32 $0xEA80  }
0x275: {  	[tilespmem:s0], [sflag:$0x2] =	stream.indirect_vreg.gather [hbm4b:s4+s3], $0x80, v4, vm0, $0xb8;
	[tilespmem:$0x1C280] =	vst v63  }
0x276: {  	s18 =	simm.s32 $0xF280;
	v3 =	vadd.s32 v1, v3  }
0x277: {  	[tilespmem:s18], [sflag:$0x2] =	stream.indirect_vreg.gather [hbm4b:s5+s3], $0x80, v4, vm0, $0xb8;
	[tilespmem:$0x1C280] =	vst v63  }
0x278: {  	s9 =	simm.s32 $0xFA80  }
0x279: {  	[tilespmem:s9], [sflag:$0x2] =	stream.indirect_vreg.gather [hbm4b:s6+s3], $0x80, v4, vm0, $0xb8;
	[tilespmem:$0x1C280] =	vst v63  }
0x27a: {  	s18 =	simm.s32 $0x10280  }
0x27b: {  	[tilespmem:s18], [sflag:$0x2] =	stream.indirect_vreg.gather [hbm4b:s2+s3], $0x80, v3, vm0, $0xb8;
	[tilespmem:$0x1C280] =	vst v63  }
0x27c: {  	_ = 	snop  }
0x27d: {  	[tilespmem:s7], [sflag:$0x2] =	stream.indirect_vreg.gather [hbm4b:s4+s3], $0x80, v3, vm0, $0xb8;
	[tilespmem:$0x1C280] =	vst v63  }
0x27e: {  	_ = 	snop  }
0x27f: {  	[tilespmem:s19], [sflag:$0x2] =	stream.indirect_vreg.gather [hbm4b:s5+s3], $0x80, v3, vm0, $0xb8;
	[tilespmem:$0x1C280] =	vst v63  }
0x280: {  	s0 =	simm.s32 $0x11A80  }
0x281: {  	[tilespmem:s0], [sflag:$0x2] =	stream.indirect_vreg.gather [hbm4b:s6+s3], $0x80, v3, vm0, $0xb8;
	[tilespmem:$0x1C280] =	vst v63  }
0x282: {  	v3 =	vld [tilespmem:$0x198];
	_ =	sdelay $0x4  }
0x283: {  	v49 =	vshll.u32 v3, $0x3  }
0x284: {  	v3 =	vand.u32 $0x7, v3;
	v4 =	vand.u32 $0xFFFFFFC0, v49  }
0x285: {  	v3 =	vor.u32 v3, v4  }
0x286: {  	v4 =	vperm.xlane v3, v0;
	_ =	sdelay $0x1  }
0x287: {  	v4 =	vadd.s32 v1, v4;
	_ =	sdelay $0x3  }
0x288: {  	s7 =	simm.s32 $0x12280  }
0x289: {  	[tilespmem:s7], [sflag:$0x2] =	stream.indirect_vreg.gather [hbm4b:s2+s3], $0x80, v4, vm0, $0xb8;
	[tilespmem:$0x1C280] =	vst v63  }
0x28a: {  	s9 =	simm.s32 $0x12A80;
	v3 =	vperm.xlane v3, v2  }
0x28b: {  	[tilespmem:s9], [sflag:$0x2] =	stream.indirect_vreg.gather [hbm4b:s4+s3], $0x80, v4, vm0, $0xb8;
	[tilespmem:$0x1C280] =	vst v63  }
0x28c: {  	v3 =	vadd.s32 v1, v3;
	s7 =	simm.s32 $0x13280  }
0x28d: {  	[tilespmem:s7], [sflag:$0x2] =	stream.indirect_vreg.gather [hbm4b:s5+s3], $0x80, v4, vm0, $0xb8;
	[tilespmem:$0x1C280] =	vst v63  }
0x28e: {  	s9 =	simm.s32 $0x13A80  }
0x28f: {  	[tilespmem:s9], [sflag:$0x2] =	stream.indirect_vreg.gather [hbm4b:s6+s3], $0x80, v4, vm0, $0xb8;
	[tilespmem:$0x1C280] =	vst v63  }
0x290: {  	s18 =	simm.s32 $0x14280  }
0x291: {  	[tilespmem:s18], [sflag:$0x2] =	stream.indirect_vreg.gather [hbm4b:s2+s3], $0x80, v3, vm0, $0xb8;
	[tilespmem:$0x1C280] =	vst v63  }
0x292: {  	s19 =	simm.s32 $0x14A80  }
0x293: {  	[tilespmem:s19], [sflag:$0x2] =	stream.indirect_vreg.gather [hbm4b:s4+s3], $0x80, v3, vm0, $0xb8;
	[tilespmem:$0x1C280] =	vst v63  }
0x294: {  	s18 =	simm.s32 $0x15280  }
0x295: {  	[tilespmem:s18], [sflag:$0x2] =	stream.indirect_vreg.gather [hbm4b:s5+s3], $0x80, v3, vm0, $0xb8;
	[tilespmem:$0x1C280] =	vst v63  }
0x296: {  	s19 =	simm.s32 $0x15A80  }
0x297: {  	[tilespmem:s19], [sflag:$0x2] =	stream.indirect_vreg.gather [hbm4b:s6+s3], $0x80, v3, vm0, $0xb8;
	[tilespmem:$0x1C280] =	vst v63  }
0x298: {  	v3 =	vld [tilespmem:$0x1A8];
	_ =	sdelay $0x4  }
0x299: {  	v50 =	vshll.u32 v3, $0x3  }
0x29a: {  	v3 =	vand.u32 $0x7, v3;
	v4 =	vand.u32 $0xFFFFFFC0, v50  }
0x29b: {  	v3 =	vor.u32 v3, v4  }
0x29c: {  	v4 =	vperm.xlane v3, v0;
	_ =	sdelay $0x1  }
0x29d: {  	v4 =	vadd.s32 v1, v4;
	_ =	sdelay $0x3  }
0x29e: {  	s18 =	simm.s32 $0x16280  }
0x29f: {  	[tilespmem:s18], [sflag:$0x2] =	stream.indirect_vreg.gather [hbm4b:s2+s3], $0x80, v4, vm0, $0xb8;
	[tilespmem:$0x1C280] =	vst v63  }
0x2a0: {  	s19 =	simm.s32 $0x16A80;
	v3 =	vperm.xlane v3, v2  }
0x2a1: {  	[tilespmem:s19], [sflag:$0x2] =	stream.indirect_vreg.gather [hbm4b:s4+s3], $0x80, v4, vm0, $0xb8;
	[tilespmem:$0x1C280] =	vst v63  }
0x2a2: {  	v3 =	vadd.s32 v1, v3;
	s18 =	simm.s32 $0x17280  }
0x2a3: {  	[tilespmem:s18], [sflag:$0x2] =	stream.indirect_vreg.gather [hbm4b:s5+s3], $0x80, v4, vm0, $0xb8;
	[tilespmem:$0x1C280] =	vst v63  }
0x2a4: {  	s19 =	simm.s32 $0x17A80  }
0x2a5: {  	[tilespmem:s19], [sflag:$0x2] =	stream.indirect_vreg.gather [hbm4b:s6+s3], $0x80, v4, vm0, $0xb8;
	[tilespmem:$0x1C280] =	vst v63  }
0x2a6: {  	s18 =	simm.s32 $0x18280  }
0x2a7: {  	[tilespmem:s18], [sflag:$0x2] =	stream.indirect_vreg.gather [hbm4b:s2+s3], $0x80, v3, vm0, $0xb8;
	[tilespmem:$0x1C280] =	vst v63  }
0x2a8: {  	s19 =	simm.s32 $0x18A80  }
0x2a9: {  	[tilespmem:s19], [sflag:$0x2] =	stream.indirect_vreg.gather [hbm4b:s4+s3], $0x80, v3, vm0, $0xb8;
	[tilespmem:$0x1C280] =	vst v63  }
0x2aa: {  	s18 =	simm.s32 $0x19280  }
0x2ab: {  	[tilespmem:s18], [sflag:$0x2] =	stream.indirect_vreg.gather [hbm4b:s5+s3], $0x80, v3, vm0, $0xb8;
	[tilespmem:$0x1C280] =	vst v63  }
0x2ac: {  	s19 =	simm.s32 $0x19A80  }
0x2ad: {  	[tilespmem:s19], [sflag:$0x2] =	stream.indirect_vreg.gather [hbm4b:s6+s3], $0x80, v3, vm0, $0xb8;
	[tilespmem:$0x1C280] =	vst v63  }
0x2ae: {  	v3 =	vld.msk [tilespmem:$0x1B8], $0xff;
	_ =	sdelay $0x4  }
0x2af: {  	v51 =	vshll.u32 v3, $0x3  }
0x2b0: {  	v3 =	vand.u32 $0x7, v3;
	v4 =	vand.u32 $0xFFFFFFC0, v51  }
0x2b1: {  	v3 =	vor.u32 v3, v4  }
0x2b2: {  	v3 =	vperm.xlane v3, v0;
	_ =	sdelay $0x1  }
0x2b3: {  	v3 =	vadd.s32 v1, v3;
	_ =	sdelay $0x3  }
0x2b4: {  	s18 =	simm.s32 $0x1A280  }
0x2b5: {  	[tilespmem:s18], [sflag:$0x2] =	stream.indirect_vreg.gather [hbm4b:s2+s3], $0x80, v3, vm0, $0xb8;
	[tilespmem:$0x1C280] =	vst v63  }
0x2b6: {  	s19 =	simm.s32 $0x1AA80  }
0x2b7: {  	[tilespmem:s19], [sflag:$0x2] =	stream.indirect_vreg.gather [hbm4b:s4+s3], $0x80, v3, vm0, $0xb8;
	[tilespmem:$0x1C280] =	vst v63  }
0x2b8: {  	s18 =	simm.s32 $0x1B280  }
0x2b9: {  	[tilespmem:s18], [sflag:$0x2] =	stream.indirect_vreg.gather [hbm4b:s5+s3], $0x80, v3, vm0, $0xb8;
	[tilespmem:$0x1C280] =	vst v63  }
0x2ba: {  	s19 =	simm.s32 $0x1BA80  }
0x2bb: {  	[tilespmem:s19], [sflag:$0x2] =	stream.indirect_vreg.gather [hbm4b:s6+s3], $0x80, v3, vm0, $0xb8;
	[tilespmem:$0x1C280] =	vst v63  }
0x2bc: {  	_ =	swait.ge [sflag:s14], $0xE000  }
0x2bd: {  	[sflag:s14] =	ssyncset.done $0x0  }
0x2be: {  	s19 =	simm.s32 $0x280;
	s0 =	rddreg [dreg:$0xb];
	[sflag:s14] =	ssyncadd.s32 $0xFFFF2000  }
0x2bf: {  	[hbm4b:s0+s3] =	stream.linear.scatter [tilespmem:s19], [sflag:$0x3], $0xE000, $0x38;
	[tilespmem:$0x1C280] =	vst v63  }
0x2c0: {  	_ =	swait.ge [sflag:s15], $0xE000  }
0x2c1: {  	[sflag:s15] =	ssyncset.done $0x0  }
0x2c2: {  	[sflag:s15] =	ssyncadd.s32 $0xFFFF2000  }
0x2c3: {  	v3 =	vld [tilespmem:$0x1C0];
	_ =	sdelay $0x4  }
0x2c4: {  	v52 =	vshll.u32 v3, $0x3  }
0x2c5: {  	v3 =	vand.u32 $0x7, v3;
	v4 =	vand.u32 $0xFFFFFFC0, v52  }
0x2c6: {  	v3 =	vor.u32 v3, v4  }
0x2c7: {  	v4 =	vperm.xlane v3, v0;
	_ =	sdelay $0x1  }
0x2c8: {  	v4 =	vadd.s32 v1, v4;
	_ =	sdelay $0x4  }
0x2c9: {  	[tilespmem:s19], [sflag:$0x1] =	stream.indirect_vreg.gather [hbm4b:s2+s3], $0x80, v4, vm0, $0xb8;
	[tilespmem:$0x1C280] =	vst v63  }
0x2ca: {  	s18 =	simm.s32 $0xA80;
	v3 =	vperm.xlane v3, v2  }
0x2cb: {  	[tilespmem:s18], [sflag:$0x1] =	stream.indirect_vreg.gather [hbm4b:s4+s3], $0x80, v4, vm0, $0xb8;
	[tilespmem:$0x1C280] =	vst v63  }
0x2cc: {  	v3 =	vadd.s32 v1, v3  }
0x2cd: {  	[tilespmem:s20], [sflag:$0x1] =	stream.indirect_vreg.gather [hbm4b:s5+s3], $0x80, v4, vm0, $0xb8;
	[tilespmem:$0x1C280] =	vst v63  }
0x2ce: {  	_ = 	snop  }
0x2cf: {  	[tilespmem:s21], [sflag:$0x1] =	stream.indirect_vreg.gather [hbm4b:s6+s3], $0x80, v4, vm0, $0xb8;
	[tilespmem:$0x1C280] =	vst v63  }
0x2d0: {  	_ = 	snop  }
0x2d1: {  	[tilespmem:s22], [sflag:$0x1] =	stream.indirect_vreg.gather [hbm4b:s2+s3], $0x80, v3, vm0, $0xb8;
	[tilespmem:$0x1C280] =	vst v63  }
0x2d2: {  	_ = 	snop  }
0x2d3: {  	[tilespmem:s23], [sflag:$0x1] =	stream.indirect_vreg.gather [hbm4b:s4+s3], $0x80, v3, vm0, $0xb8;
	[tilespmem:$0x1C280] =	vst v63  }
0x2d4: {  	_ = 	snop  }
0x2d5: {  	[tilespmem:s24], [sflag:$0x1] =	stream.indirect_vreg.gather [hbm4b:s5+s3], $0x80, v3, vm0, $0xb8;
	[tilespmem:$0x1C280] =	vst v63  }
0x2d6: {  	s18 =	simm.s32 $0x3A80  }
0x2d7: {  	[tilespmem:s18], [sflag:$0x1] =	stream.indirect_vreg.gather [hbm4b:s6+s3], $0x80, v3, vm0, $0xb8;
	[tilespmem:$0x1C280] =	vst v63  }
0x2d8: {  	v3 =	vld [tilespmem:$0x1D0];
	_ =	sdelay $0x4  }
0x2d9: {  	v53 =	vshll.u32 v3, $0x3  }
0x2da: {  	v3 =	vand.u32 $0x7, v3;
	v4 =	vand.u32 $0xFFFFFFC0, v53  }
0x2db: {  	v3 =	vor.u32 v3, v4  }
0x2dc: {  	v4 =	vperm.xlane v3, v0;
	_ =	sdelay $0x1  }
0x2dd: {  	v4 =	vadd.s32 v1, v4;
	_ =	sdelay $0x3  }
0x2de: {  	s22 =	simm.s32 $0x4280  }
0x2df: {  	[tilespmem:s22], [sflag:$0x1] =	stream.indirect_vreg.gather [hbm4b:s2+s3], $0x80, v4, vm0, $0xb8;
	[tilespmem:$0x1C280] =	vst v63  }
0x2e0: {  	s23 =	simm.s32 $0x4A80;
	v3 =	vperm.xlane v3, v2  }
0x2e1: {  	[tilespmem:s23], [sflag:$0x1] =	stream.indirect_vreg.gather [hbm4b:s4+s3], $0x80, v4, vm0, $0xb8;
	[tilespmem:$0x1C280] =	vst v63  }
0x2e2: {  	s24 =	simm.s32 $0x5280;
	v3 =	vadd.s32 v1, v3  }
0x2e3: {  	[tilespmem:s24], [sflag:$0x1] =	stream.indirect_vreg.gather [hbm4b:s5+s3], $0x80, v4, vm0, $0xb8;
	[tilespmem:$0x1C280] =	vst v63  }
0x2e4: {  	_ = 	snop  }
0x2e5: {  	[tilespmem:s10], [sflag:$0x1] =	stream.indirect_vreg.gather [hbm4b:s6+s3], $0x80, v4, vm0, $0xb8;
	[tilespmem:$0x1C280] =	vst v63  }
0x2e6: {  	_ = 	snop  }
0x2e7: {  	[tilespmem:s13], [sflag:$0x1] =	stream.indirect_vreg.gather [hbm4b:s2+s3], $0x80, v3, vm0, $0xb8;
	[tilespmem:$0x1C280] =	vst v63  }
0x2e8: {  	_ = 	snop  }
0x2e9: {  	[tilespmem:s25], [sflag:$0x1] =	stream.indirect_vreg.gather [hbm4b:s4+s3], $0x80, v3, vm0, $0xb8;
	[tilespmem:$0x1C280] =	vst v63  }
0x2ea: {  	_ = 	snop  }
0x2eb: {  	[tilespmem:s26], [sflag:$0x1] =	stream.indirect_vreg.gather [hbm4b:s5+s3], $0x80, v3, vm0, $0xb8;
	[tilespmem:$0x1C280] =	vst v63  }
0x2ec: {  	s18 =	simm.s32 $0x7A80  }
0x2ed: {  	[tilespmem:s18], [sflag:$0x1] =	stream.indirect_vreg.gather [hbm4b:s6+s3], $0x80, v3, vm0, $0xb8;
	[tilespmem:$0x1C280] =	vst v63  }
0x2ee: {  	v3 =	vld [tilespmem:$0x1E0];
	_ =	sdelay $0x4  }
0x2ef: {  	v54 =	vshll.u32 v3, $0x3  }
0x2f0: {  	v3 =	vand.u32 $0x7, v3;
	v4 =	vand.u32 $0xFFFFFFC0, v54  }
0x2f1: {  	v3 =	vor.u32 v3, v4  }
0x2f2: {  	v4 =	vperm.xlane v3, v0;
	_ =	sdelay $0x1  }
0x2f3: {  	v4 =	vadd.s32 v1, v4;
	_ =	sdelay $0x3  }
0x2f4: {  	s25 =	simm.s32 $0x8280  }
0x2f5: {  	[tilespmem:s25], [sflag:$0x1] =	stream.indirect_vreg.gather [hbm4b:s2+s3], $0x80, v4, vm0, $0xb8;
	[tilespmem:$0x1C280] =	vst v63  }
0x2f6: {  	s26 =	simm.s32 $0x8A80;
	v3 =	vperm.xlane v3, v2  }
0x2f7: {  	[tilespmem:s26], [sflag:$0x1] =	stream.indirect_vreg.gather [hbm4b:s4+s3], $0x80, v4, vm0, $0xb8;
	[tilespmem:$0x1C280] =	vst v63  }
0x2f8: {  	v3 =	vadd.s32 v1, v3  }
0x2f9: {  	[tilespmem:s1], [sflag:$0x1] =	stream.indirect_vreg.gather [hbm4b:s5+s3], $0x80, v4, vm0, $0xb8;
	[tilespmem:$0x1C280] =	vst v63  }
0x2fa: {  	_ = 	snop  }
0x2fb: {  	[tilespmem:s11], [sflag:$0x1] =	stream.indirect_vreg.gather [hbm4b:s6+s3], $0x80, v4, vm0, $0xb8;
	[tilespmem:$0x1C280] =	vst v63  }
0x2fc: {  	_ = 	snop  }
0x2fd: {  	[tilespmem:s12], [sflag:$0x1] =	stream.indirect_vreg.gather [hbm4b:s2+s3], $0x80, v3, vm0, $0xb8;
	[tilespmem:$0x1C280] =	vst v63  }
0x2fe: {  	_ = 	snop  }
0x2ff: {  	[tilespmem:s28], [sflag:$0x1] =	stream.indirect_vreg.gather [hbm4b:s4+s3], $0x80, v3, vm0, $0xb8;
	[tilespmem:$0x1C280] =	vst v63  }
0x300: {  	_ = 	snop  }
0x301: {  	[tilespmem:s29], [sflag:$0x1] =	stream.indirect_vreg.gather [hbm4b:s5+s3], $0x80, v3, vm0, $0xb8;
	[tilespmem:$0x1C280] =	vst v63  }
0x302: {  	s29 =	simm.s32 $0xBA80  }
0x303: {  	[tilespmem:s29], [sflag:$0x1] =	stream.indirect_vreg.gather [hbm4b:s6+s3], $0x80, v3, vm0, $0xb8;
	[tilespmem:$0x1C280] =	vst v63  }
0x304: {  	v3 =	vld.msk [tilespmem:$0x1F0], $0xff;
	_ =	sdelay $0x4  }
0x305: {  	v55 =	vshll.u32 v3, $0x3  }
0x306: {  	v3 =	vand.u32 $0x7, v3;
	v4 =	vand.u32 $0xFFFFFFC0, v55  }
0x307: {  	v3 =	vor.u32 v3, v4  }
0x308: {  	v3 =	vperm.xlane v3, v0;
	_ =	sdelay $0x1  }
0x309: {  	v3 =	vadd.s32 v1, v3;
	_ =	sdelay $0x4  }
0x30a: {  	[tilespmem:s8], [sflag:$0x1] =	stream.indirect_vreg.gather [hbm4b:s2+s3], $0x80, v3, vm0, $0xb8;
	[tilespmem:$0x1C280] =	vst v63  }
0x30b: {  	_ = 	snop  }
0x30c: {  	[tilespmem:s30], [sflag:$0x1] =	stream.indirect_vreg.gather [hbm4b:s4+s3], $0x80, v3, vm0, $0xb8;
	[tilespmem:$0x1C280] =	vst v63  }
0x30d: {  	_ = 	snop  }
0x30e: {  	[tilespmem:s31], [sflag:$0x1] =	stream.indirect_vreg.gather [hbm4b:s5+s3], $0x80, v3, vm0, $0xb8;
	[tilespmem:$0x1C280] =	vst v63  }
0x30f: {  	s31 =	simm.s32 $0xDA80  }
0x310: {  	[tilespmem:s31], [sflag:$0x1] =	stream.indirect_vreg.gather [hbm4b:s6+s3], $0x80, v3, vm0, $0xb8;
	[tilespmem:$0x1C280] =	vst v63  }
0x311: {  	_ =	swait.ge [sflag:s16], $0xE000  }
0x312: {  	[sflag:s16] =	ssyncset.done $0x0  }
0x313: {  	s30 =	simm.s32 $0xE280;
	s0 =	rddreg [dreg:$0xc];
	[sflag:s16] =	ssyncadd.s32 $0xFFFF2000  }
0x314: {  	[hbm4b:s0+s3] =	stream.linear.scatter [tilespmem:s30], [sflag:$0x4], $0xE000, $0x38;
	[tilespmem:$0x1C280] =	vst v63  }
0x315: {  	_ =	swait.ge [sflag:s17], $0xE000  }
0x316: {  	[sflag:s17] =	ssyncset.done $0x0  }
0x317: {  	[sflag:s17] =	ssyncadd.s32 $0xFFFF2000  }
0x318: {  	v3 =	vld [tilespmem:$0x1F8];
	_ =	sdelay $0x4  }
0x319: {  	v56 =	vshll.u32 v3, $0x3  }
0x31a: {  	v3 =	vand.u32 $0x7, v3;
	v4 =	vand.u32 $0xFFFFFFC0, v56  }
0x31b: {  	v3 =	vor.u32 v3, v4  }
0x31c: {  	v4 =	vperm.xlane v3, v0;
	_ =	sdelay $0x1  }
0x31d: {  	v4 =	vadd.s32 v1, v4;
	_ =	sdelay $0x4  }
0x31e: {  	[tilespmem:s30], [sflag:$0x2] =	stream.indirect_vreg.gather [hbm4b:s2+s3], $0x80, v4, vm0, $0xb8;
	[tilespmem:$0x1C280] =	vst v63  }
0x31f: {  	s18 =	simm.s32 $0xEA80;
	v3 =	vperm.xlane v3, v2  }
0x320: {  	[tilespmem:s18], [sflag:$0x2] =	stream.indirect_vreg.gather [hbm4b:s4+s3], $0x80, v4, vm0, $0xb8;
	[tilespmem:$0x1C280] =	vst v63  }
0x321: {  	v3 =	vadd.s32 v1, v3;
	s18 =	simm.s32 $0xF280  }
0x322: {  	[tilespmem:s18], [sflag:$0x2] =	stream.indirect_vreg.gather [hbm4b:s5+s3], $0x80, v4, vm0, $0xb8;
	[tilespmem:$0x1C280] =	vst v63  }
0x323: {  	s18 =	simm.s32 $0xFA80  }
0x324: {  	[tilespmem:s18], [sflag:$0x2] =	stream.indirect_vreg.gather [hbm4b:s6+s3], $0x80, v4, vm0, $0xb8;
	[tilespmem:$0x1C280] =	vst v63  }
0x325: {  	s18 =	simm.s32 $0x10280  }
0x326: {  	[tilespmem:s18], [sflag:$0x2] =	stream.indirect_vreg.gather [hbm4b:s2+s3], $0x80, v3, vm0, $0xb8;
	[tilespmem:$0x1C280] =	vst v63  }
0x327: {  	s18 =	simm.s32 $0x10A80  }
0x328: {  	[tilespmem:s18], [sflag:$0x2] =	stream.indirect_vreg.gather [hbm4b:s4+s3], $0x80, v3, vm0, $0xb8;
	[tilespmem:$0x1C280] =	vst v63  }
0x329: {  	s18 =	simm.s32 $0x11280  }
0x32a: {  	[tilespmem:s18], [sflag:$0x2] =	stream.indirect_vreg.gather [hbm4b:s5+s3], $0x80, v3, vm0, $0xb8;
	[tilespmem:$0x1C280] =	vst v63  }
0x32b: {  	s18 =	simm.s32 $0x11A80  }
0x32c: {  	[tilespmem:s18], [sflag:$0x2] =	stream.indirect_vreg.gather [hbm4b:s6+s3], $0x80, v3, vm0, $0xb8;
	[tilespmem:$0x1C280] =	vst v63  }
0x32d: {  	v3 =	vld [tilespmem:$0x208];
	_ =	sdelay $0x4  }
0x32e: {  	v57 =	vshll.u32 v3, $0x3  }
0x32f: {  	v3 =	vand.u32 $0x7, v3;
	v4 =	vand.u32 $0xFFFFFFC0, v57  }
0x330: {  	v3 =	vor.u32 v3, v4  }
0x331: {  	v4 =	vperm.xlane v3, v0;
	_ =	sdelay $0x1  }
0x332: {  	v4 =	vadd.s32 v1, v4;
	_ =	sdelay $0x3  }
0x333: {  	s18 =	simm.s32 $0x12280  }
0x334: {  	[tilespmem:s18], [sflag:$0x2] =	stream.indirect_vreg.gather [hbm4b:s2+s3], $0x80, v4, vm0, $0xb8;
	[tilespmem:$0x1C280] =	vst v63  }
0x335: {  	v3 =	vperm.xlane v3, v2;
	s18 =	simm.s32 $0x12A80  }
0x336: {  	[tilespmem:s18], [sflag:$0x2] =	stream.indirect_vreg.gather [hbm4b:s4+s3], $0x80, v4, vm0, $0xb8;
	[tilespmem:$0x1C280] =	vst v63  }
0x337: {  	v3 =	vadd.s32 v1, v3  }
0x338: {  	[tilespmem:s7], [sflag:$0x2] =	stream.indirect_vreg.gather [hbm4b:s5+s3], $0x80, v4, vm0, $0xb8;
	[tilespmem:$0x1C280] =	vst v63  }
0x339: {  	_ = 	snop  }
0x33a: {  	[tilespmem:s9], [sflag:$0x2] =	stream.indirect_vreg.gather [hbm4b:s6+s3], $0x80, v4, vm0, $0xb8;
	[tilespmem:$0x1C280] =	vst v63  }
0x33b: {  	s18 =	simm.s32 $0x14280  }
0x33c: {  	[tilespmem:s18], [sflag:$0x2] =	stream.indirect_vreg.gather [hbm4b:s2+s3], $0x80, v3, vm0, $0xb8;
	[tilespmem:$0x1C280] =	vst v63  }
0x33d: {  	s7 =	simm.s32 $0x14A80  }
0x33e: {  	[tilespmem:s7], [sflag:$0x2] =	stream.indirect_vreg.gather [hbm4b:s4+s3], $0x80, v3, vm0, $0xb8;
	[tilespmem:$0x1C280] =	vst v63  }
0x33f: {  	s9 =	simm.s32 $0x15280  }
0x340: {  	[tilespmem:s9], [sflag:$0x2] =	stream.indirect_vreg.gather [hbm4b:s5+s3], $0x80, v3, vm0, $0xb8;
	[tilespmem:$0x1C280] =	vst v63  }
0x341: {  	s18 =	simm.s32 $0x15A80  }
0x342: {  	[tilespmem:s18], [sflag:$0x2] =	stream.indirect_vreg.gather [hbm4b:s6+s3], $0x80, v3, vm0, $0xb8;
	[tilespmem:$0x1C280] =	vst v63  }
0x343: {  	v3 =	vld [tilespmem:$0x218];
	_ =	sdelay $0x4  }
0x344: {  	v58 =	vshll.u32 v3, $0x3  }
0x345: {  	v3 =	vand.u32 $0x7, v3;
	v4 =	vand.u32 $0xFFFFFFC0, v58  }
0x346: {  	v3 =	vor.u32 v3, v4  }
0x347: {  	v4 =	vperm.xlane v3, v0;
	_ =	sdelay $0x1  }
0x348: {  	v4 =	vadd.s32 v1, v4;
	_ =	sdelay $0x3  }
0x349: {  	s7 =	simm.s32 $0x16280  }
0x34a: {  	[tilespmem:s7], [sflag:$0x2] =	stream.indirect_vreg.gather [hbm4b:s2+s3], $0x80, v4, vm0, $0xb8;
	[tilespmem:$0x1C280] =	vst v63  }
0x34b: {  	s9 =	simm.s32 $0x16A80;
	v3 =	vperm.xlane v3, v2  }
0x34c: {  	[tilespmem:s9], [sflag:$0x2] =	stream.indirect_vreg.gather [hbm4b:s4+s3], $0x80, v4, vm0, $0xb8;
	[tilespmem:$0x1C280] =	vst v63  }
0x34d: {  	s18 =	simm.s32 $0x17280;
	v3 =	vadd.s32 v1, v3  }
0x34e: {  	[tilespmem:s18], [sflag:$0x2] =	stream.indirect_vreg.gather [hbm4b:s5+s3], $0x80, v4, vm0, $0xb8;
	[tilespmem:$0x1C280] =	vst v63  }
0x34f: {  	s7 =	simm.s32 $0x17A80  }
0x350: {  	[tilespmem:s7], [sflag:$0x2] =	stream.indirect_vreg.gather [hbm4b:s6+s3], $0x80, v4, vm0, $0xb8;
	[tilespmem:$0x1C280] =	vst v63  }
0x351: {  	s9 =	simm.s32 $0x18280  }
0x352: {  	[tilespmem:s9], [sflag:$0x2] =	stream.indirect_vreg.gather [hbm4b:s2+s3], $0x80, v3, vm0, $0xb8;
	[tilespmem:$0x1C280] =	vst v63  }
0x353: {  	s18 =	simm.s32 $0x18A80  }
0x354: {  	[tilespmem:s18], [sflag:$0x2] =	stream.indirect_vreg.gather [hbm4b:s4+s3], $0x80, v3, vm0, $0xb8;
	[tilespmem:$0x1C280] =	vst v63  }
0x355: {  	s7 =	simm.s32 $0x19280  }
0x356: {  	[tilespmem:s7], [sflag:$0x2] =	stream.indirect_vreg.gather [hbm4b:s5+s3], $0x80, v3, vm0, $0xb8;
	[tilespmem:$0x1C280] =	vst v63  }
0x357: {  	s9 =	simm.s32 $0x19A80  }
0x358: {  	[tilespmem:s9], [sflag:$0x2] =	stream.indirect_vreg.gather [hbm4b:s6+s3], $0x80, v3, vm0, $0xb8;
	[tilespmem:$0x1C280] =	vst v63  }
0x359: {  	v3 =	vld.msk [tilespmem:$0x228], $0xff;
	_ =	sdelay $0x4  }
0x35a: {  	v59 =	vshll.u32 v3, $0x3  }
0x35b: {  	v3 =	vand.u32 $0x7, v3;
	v4 =	vand.u32 $0xFFFFFFC0, v59  }
0x35c: {  	v3 =	vor.u32 v3, v4  }
0x35d: {  	v3 =	vperm.xlane v3, v0;
	_ =	sdelay $0x1  }
0x35e: {  	v3 =	vadd.s32 v1, v3;
	_ =	sdelay $0x3  }
0x35f: {  	s18 =	simm.s32 $0x1A280  }
0x360: {  	[tilespmem:s18], [sflag:$0x2] =	stream.indirect_vreg.gather [hbm4b:s2+s3], $0x80, v3, vm0, $0xb8;
	[tilespmem:$0x1C280] =	vst v63  }
0x361: {  	s7 =	simm.s32 $0x1AA80  }
0x362: {  	[tilespmem:s7], [sflag:$0x2] =	stream.indirect_vreg.gather [hbm4b:s4+s3], $0x80, v3, vm0, $0xb8;
	[tilespmem:$0x1C280] =	vst v63  }
0x363: {  	s9 =	simm.s32 $0x1B280  }
0x364: {  	[tilespmem:s9], [sflag:$0x2] =	stream.indirect_vreg.gather [hbm4b:s5+s3], $0x80, v3, vm0, $0xb8;
	[tilespmem:$0x1C280] =	vst v63  }
0x365: {  	s18 =	simm.s32 $0x1BA80  }
0x366: {  	[tilespmem:s18], [sflag:$0x2] =	stream.indirect_vreg.gather [hbm4b:s6+s3], $0x80, v3, vm0, $0xb8;
	[tilespmem:$0x1C280] =	vst v63  }
0x367: {  	_ =	swait.ge [sflag:s14], $0xE000  }
0x368: {  	[sflag:s14] =	ssyncset.done $0x0  }
0x369: {  	s19 =	simm.s32 $0x280;
	s7 =	rddreg [dreg:$0xd];
	[sflag:s14] =	ssyncadd.s32 $0xFFFF2000  }
0x36a: {  	[hbm4b:s7+s3] =	stream.linear.scatter [tilespmem:s19], [sflag:$0x3], $0xE000, $0x38;
	[tilespmem:$0x1C280] =	vst v63  }
0x36b: {  	_ =	swait.ge [sflag:s15], $0xE000  }
0x36c: {  	[sflag:s15] =	ssyncset.done $0x0  }
0x36d: {  	[sflag:s15] =	ssyncadd.s32 $0xFFFF2000  }
0x36e: {  	v3 =	vld [tilespmem:$0x230];
	_ =	sdelay $0x4  }
0x36f: {  	v60 =	vshll.u32 v3, $0x3  }
0x370: {  	v3 =	vand.u32 $0x7, v3;
	v4 =	vand.u32 $0xFFFFFFC0, v60  }
0x371: {  	v3 =	vor.u32 v3, v4  }
0x372: {  	v4 =	vperm.xlane v3, v0;
	_ =	sdelay $0x1  }
0x373: {  	v4 =	vadd.s32 v1, v4;
	_ =	sdelay $0x4  }
0x374: {  	[tilespmem:s19], [sflag:$0x1] =	stream.indirect_vreg.gather [hbm4b:s2+s3], $0x80, v4, vm0, $0xb8;
	[tilespmem:$0x1C280] =	vst v63  }
0x375: {  	s9 =	simm.s32 $0xA80;
	v3 =	vperm.xlane v3, v2  }
0x376: {  	[tilespmem:s9], [sflag:$0x1] =	stream.indirect_vreg.gather [hbm4b:s4+s3], $0x80, v4, vm0, $0xb8;
	[tilespmem:$0x1C280] =	vst v63  }
0x377: {  	s18 =	simm.s32 $0x1280;
	v3 =	vadd.s32 v1, v3  }
0x378: {  	[tilespmem:s18], [sflag:$0x1] =	stream.indirect_vreg.gather [hbm4b:s5+s3], $0x80, v4, vm0, $0xb8;
	[tilespmem:$0x1C280] =	vst v63  }
0x379: {  	s7 =	simm.s32 $0x1A80  }
0x37a: {  	[tilespmem:s7], [sflag:$0x1] =	stream.indirect_vreg.gather [hbm4b:s6+s3], $0x80, v4, vm0, $0xb8;
	[tilespmem:$0x1C280] =	vst v63  }
0x37b: {  	s9 =	simm.s32 $0x2280  }
0x37c: {  	[tilespmem:s9], [sflag:$0x1] =	stream.indirect_vreg.gather [hbm4b:s2+s3], $0x80, v3, vm0, $0xb8;
	[tilespmem:$0x1C280] =	vst v63  }
0x37d: {  	s20 =	simm.s32 $0x2A80  }
0x37e: {  	[tilespmem:s20], [sflag:$0x1] =	stream.indirect_vreg.gather [hbm4b:s4+s3], $0x80, v3, vm0, $0xb8;
	[tilespmem:$0x1C280] =	vst v63  }
0x37f: {  	s21 =	simm.s32 $0x3280  }
0x380: {  	[tilespmem:s21], [sflag:$0x1] =	stream.indirect_vreg.gather [hbm4b:s5+s3], $0x80, v3, vm0, $0xb8;
	[tilespmem:$0x1C280] =	vst v63  }
0x381: {  	s18 =	simm.s32 $0x3A80  }
0x382: {  	[tilespmem:s18], [sflag:$0x1] =	stream.indirect_vreg.gather [hbm4b:s6+s3], $0x80, v3, vm0, $0xb8;
	[tilespmem:$0x1C280] =	vst v63  }
0x383: {  	v3 =	vld [tilespmem:$0x240];
	_ =	sdelay $0x4  }
0x384: {  	v61 =	vshll.u32 v3, $0x3  }
0x385: {  	v3 =	vand.u32 $0x7, v3;
	v4 =	vand.u32 $0xFFFFFFC0, v61  }
0x386: {  	v3 =	vor.u32 v3, v4  }
0x387: {  	v4 =	vperm.xlane v3, v0;
	_ =	sdelay $0x1  }
0x388: {  	v4 =	vadd.s32 v1, v4;
	_ =	sdelay $0x3  }
0x389: {  	s20 =	simm.s32 $0x4280  }
0x38a: {  	[tilespmem:s20], [sflag:$0x1] =	stream.indirect_vreg.gather [hbm4b:s2+s3], $0x80, v4, vm0, $0xb8;
	[tilespmem:$0x1C280] =	vst v63  }
0x38b: {  	s21 =	simm.s32 $0x4A80;
	v3 =	vperm.xlane v3, v2  }
0x38c: {  	[tilespmem:s21], [sflag:$0x1] =	stream.indirect_vreg.gather [hbm4b:s4+s3], $0x80, v4, vm0, $0xb8;
	[tilespmem:$0x1C280] =	vst v63  }
0x38d: {  	s22 =	simm.s32 $0x5280;
	v3 =	vadd.s32 v1, v3  }
0x38e: {  	[tilespmem:s22], [sflag:$0x1] =	stream.indirect_vreg.gather [hbm4b:s5+s3], $0x80, v4, vm0, $0xb8;
	[tilespmem:$0x1C280] =	vst v63  }
0x38f: {  	s10 =	simm.s32 $0x5A80  }
0x390: {  	[tilespmem:s10], [sflag:$0x1] =	stream.indirect_vreg.gather [hbm4b:s6+s3], $0x80, v4, vm0, $0xb8;
	[tilespmem:$0x1C280] =	vst v63  }
0x391: {  	s13 =	simm.s32 $0x6280  }
0x392: {  	[tilespmem:s13], [sflag:$0x1] =	stream.indirect_vreg.gather [hbm4b:s2+s3], $0x80, v3, vm0, $0xb8;
	[tilespmem:$0x1C280] =	vst v63  }
0x393: {  	s23 =	simm.s32 $0x6A80  }
0x394: {  	[tilespmem:s23], [sflag:$0x1] =	stream.indirect_vreg.gather [hbm4b:s4+s3], $0x80, v3, vm0, $0xb8;
	[tilespmem:$0x1C280] =	vst v63  }
0x395: {  	s24 =	simm.s32 $0x7280  }
0x396: {  	[tilespmem:s24], [sflag:$0x1] =	stream.indirect_vreg.gather [hbm4b:s5+s3], $0x80, v3, vm0, $0xb8;
	[tilespmem:$0x1C280] =	vst v63  }
0x397: {  	s22 =	simm.s32 $0x7A80  }
0x398: {  	[tilespmem:s22], [sflag:$0x1] =	stream.indirect_vreg.gather [hbm4b:s6+s3], $0x80, v3, vm0, $0xb8;
	[tilespmem:$0x1C280] =	vst v63  }
0x399: {  	v3 =	vld [tilespmem:$0x250];
	_ =	sdelay $0x4  }
0x39a: {  	v62 =	vshll.u32 v3, $0x3  }
0x39b: {  	v3 =	vand.u32 $0x7, v3;
	v4 =	vand.u32 $0xFFFFFFC0, v62  }
0x39c: {  	v3 =	vor.u32 v3, v4  }
0x39d: {  	v4 =	vperm.xlane v3, v0;
	_ =	sdelay $0x1  }
0x39e: {  	v4 =	vadd.s32 v1, v4;
	_ =	sdelay $0x3  }
0x39f: {  	s23 =	simm.s32 $0x8280  }
0x3a0: {  	[tilespmem:s23], [sflag:$0x1] =	stream.indirect_vreg.gather [hbm4b:s2+s3], $0x80, v4, vm0, $0xb8;
	[tilespmem:$0x1C280] =	vst v63  }
0x3a1: {  	s24 =	simm.s32 $0x8A80;
	v3 =	vperm.xlane v3, v2  }
0x3a2: {  	[tilespmem:s24], [sflag:$0x1] =	stream.indirect_vreg.gather [hbm4b:s4+s3], $0x80, v4, vm0, $0xb8;
	[tilespmem:$0x1C280] =	vst v63  }
0x3a3: {  	s1 =	simm.s32 $0x9280;
	v3 =	vadd.s32 v1, v3  }
0x3a4: {  	[tilespmem:s1], [sflag:$0x1] =	stream.indirect_vreg.gather [hbm4b:s5+s3], $0x80, v4, vm0, $0xb8;
	[tilespmem:$0x1C280] =	vst v63  }
0x3a5: {  	s11 =	simm.s32 $0x9A80  }
0x3a6: {  	[tilespmem:s11], [sflag:$0x1] =	stream.indirect_vreg.gather [hbm4b:s6+s3], $0x80, v4, vm0, $0xb8;
	[tilespmem:$0x1C280] =	vst v63  }
0x3a7: {  	s12 =	simm.s32 $0xA280  }
0x3a8: {  	[tilespmem:s12], [sflag:$0x1] =	stream.indirect_vreg.gather [hbm4b:s2+s3], $0x80, v3, vm0, $0xb8;
	[tilespmem:$0x1C280] =	vst v63  }
0x3a9: {  	s25 =	simm.s32 $0xAA80  }
0x3aa: {  	[tilespmem:s25], [sflag:$0x1] =	stream.indirect_vreg.gather [hbm4b:s4+s3], $0x80, v3, vm0, $0xb8;
	[tilespmem:$0x1C280] =	vst v63  }
0x3ab: {  	s26 =	simm.s32 $0xB280  }
0x3ac: {  	[tilespmem:s26], [sflag:$0x1] =	stream.indirect_vreg.gather [hbm4b:s5+s3], $0x80, v3, vm0, $0xb8;
	[tilespmem:$0x1C280] =	vst v63  }
0x3ad: {  	s26 =	simm.s32 $0xBA80  }
0x3ae: {  	[tilespmem:s26], [sflag:$0x1] =	stream.indirect_vreg.gather [hbm4b:s6+s3], $0x80, v3, vm0, $0xb8;
	[tilespmem:$0x1C280] =	vst v63  }
0x3af: {  	v3 =	vld.msk [tilespmem:$0x260], $0xff;
	_ =	sdelay $0x4  }
0x3b0: {  	v63 =	vshll.u32 v3, $0x3  }
0x3b1: {  	v3 =	vand.u32 $0x7, v3;
	v4 =	vand.u32 $0xFFFFFFC0, v63  }
0x3b2: {  	v3 =	vor.u32 v3, v4  }
0x3b3: {  	v3 =	vperm.xlane v3, v0;
	_ =	sdelay $0x1  }
0x3b4: {  	v3 =	vadd.s32 v1, v3;
	_ =	sdelay $0x3  }
0x3b5: {  	s8 =	simm.s32 $0xC280  }
0x3b6: {  	[tilespmem:s8], [sflag:$0x1] =	stream.indirect_vreg.gather [hbm4b:s2+s3], $0x80, v3, vm0, $0xb8;
	[tilespmem:$0x1C280] =	vst v63  }
0x3b7: {  	s28 =	simm.s32 $0xCA80  }
0x3b8: {  	[tilespmem:s28], [sflag:$0x1] =	stream.indirect_vreg.gather [hbm4b:s4+s3], $0x80, v3, vm0, $0xb8;
	[tilespmem:$0x1C280] =	vst v63  }
0x3b9: {  	s29 =	simm.s32 $0xD280  }
0x3ba: {  	[tilespmem:s29], [sflag:$0x1] =	stream.indirect_vreg.gather [hbm4b:s5+s3], $0x80, v3, vm0, $0xb8;
	[tilespmem:$0x1C280] =	vst v63  }
0x3bb: {  	s31 =	simm.s32 $0xDA80  }
0x3bc: {  	[tilespmem:s31], [sflag:$0x1] =	stream.indirect_vreg.gather [hbm4b:s6+s3], $0x80, v3, vm0, $0xb8;
	[tilespmem:$0x1C280] =	vst v63  }
0x3bd: {  	s0 =	rddreg [dreg:$0x10];
	_ =	swait.ge [sflag:s16], $0xE000  }
0x3be: {  	[sflag:s16] =	ssyncset.done $0x0  }
0x3bf: {  	s30 =	simm.s32 $0xE280;
	s29 =	rddreg [dreg:$0xe];
	[sflag:s16] =	ssyncadd.s32 $0xFFFF2000  }
0x3c0: {  	[hbm4b:s29+s3] =	stream.linear.scatter [tilespmem:s30], [sflag:$0x4], $0xE000, $0x38;
	[tilespmem:$0x1C280] =	vst v63  }
0x3c1: {  	_ =	swait.ge [sflag:s14], $0xE000  }
0x3c2: {  	[sflag:s14] =	ssyncset.done $0x0  }
0x3c3: {  	s31 =	rddreg [dreg:$0xf];
	[sflag:s14] =	ssyncadd.s32 $0xFFFF2000  }
0x3c4: {  	[hbm4b:s31+s3] =	stream.linear.scatter [tilespmem:s19], [sflag:$0x3], $0xE000, $0x38;
	[tilespmem:$0x1C280] =	vst v63  }
0x3c5: {  	p0 =	sne.s32 s0, $0x1;
	_ =	swait.ge [sflag:s17], $0xE000  }
.Ltmp0:
0x3c6: {  	[sflag:s17] =	ssyncset.done $0x0;
	(pc) =	sbr.rel @p0 .LBB2_1-.Ltmp0, $4  }
0x3c7: {  	[sflag:s17] =	ssyncadd.s32 $0xFFFF2000  }
0x3c8: {  	_ =	swait.ge [sflag:s15], $0xE000  }
0x3c9: {  	[sflag:s15] =	ssyncset.done $0x0  }
0x3ca: {  	s0 =	sadd.s32 $0xFFFFFFFF, s0;
	[sflag:s15] =	ssyncadd.s32 $0xFFFF2000  }
0x3cb: {  	_ =	sfence.sel $0x180000  }
0x3cc: {  	[bflag:$0x0] =	sbarrier.arrive $0xFFFF  }
0x3cd: {  	_ =	strace $0x90000047  }
0x3ce: {  	s0 =	stileid.u32;
	[bflag:$0x2] =	sbarrier.arrive $0xFFFF  }
0x3cf: {  	p0 =	sne.s32 s0, $0x0;
	s0 =	rddreg [dreg:$0x3]  }
0x3d0: {  	s0 =	sadd.s32 @!p0 $0x100000, s0  }
0x3d1: {  	[sflag:s0] =	ssyncadd.tile.s32 @!p0 $0x1;
	_ =	shalt  }
.Lfunc_end2:
_tile_overlayer_lowered:
.L_overlay_start_2:
0x3d2: {  	(tag) =	ssettag $0x2  }
0x3d3: {  	s0 =	rddreg [dreg:$0x0];
	s2 =	stileid.u32  }
0x3d4: {  	s1 =	rddreg [dreg:$0x1];
	p0 =	sne.s32 s2, $0x0  }
0x3d5: {  	s3 =	rddreg [dreg:$0x2];
	[bflag:$0x3] =	sbarrier.arrive $0xFFFF;
	s2 =	simm.s32 @!p0 $0x1C05  }
0x3d6: {  	[timem:s3], [sflag:s2] =	dma.local @!p0 [hbm:s0], s1  }
0x3d7: {  	s0 =	simm.s32 @!p0 $0x5  }
0x3d8: {  	_ =	swait.ge @!p0 [sflag:s0], s1  }
0x3d9: {  	s1 =	ssub.s32 @!p0 $0x0, s1;
	[sflag:s0] =	ssyncset.done @!p0 $0x0  }
0x3da: {  	[sflag:s0] =	ssyncadd.s32 @!p0 s1  }
0x3db: {  	[bflag:$0x3] =	sbarrier.arrive $0xFFFF  }
0x3dc: {  	_ =	shalt  }

// kernel: kernel.7.cloned.1.call-start
scs
__scs_entry_jumppad:
0x0: {  	(pc) =	sbr.rel $0x88, $3  }
0x1: {  	(tag) =	ssettag $0x0;
	lr =	simm.s32 $0x1  }
0x2: {  	[smem:$0x3F9D] =	sst lr;
	_ =	strace $0xD0000000  }
0x3: {  	_ = 	snop  }
0x4: {  	_ = 	snop  }
0x5: {  	_ = 	snop  }
0x6: {  	_ = 	snop  }
0x7: {  	_ = 	snop  }
__scs_overlays_trampoline_lowered:
0x8: {  	[smem:$0x3FAC] =	sst s0  }
0x9: {  	[smem:$0x3FAD] =	sst s1  }
0xa: {  	[smem:$0x3FAE] =	sst s2  }
0xb: {  	[smem:$0x3FAF] =	sst s3  }
0xc: {  	[smem:$0x3FB0] =	sst s4  }
0xd: {  	[smem:$0x3FB1] =	sst s5  }
0xe: {  	[smem:$0x3FB2] =	sst s6  }
0xf: {  	[smem:$0x3FB3] =	sst s7  }
0x10: {  	[smem:$0x3FB4] =	sst s8  }
0x11: {  	[smem:$0x3FB5] =	sst s9;
	s0 =	simm.s32 @!p0 $0x0  }
0x12: {  	s1 =	sld [smem:$0x3F9B];
	s0 =	simm.s32 @p0 $0x1  }
0x13: {  	[smem:$0x3FB6] =	sst s0;
	s0 =	simm.s32 @!p1 $0x0  }
0x14: {  	s2 =	sld [smem:$0x3F9A];
	s0 =	simm.s32 @p1 $0x1  }
0x15: {  	[smem:$0x3FB7] =	sst s0;
	s0 =	simm.s32 @!p2 $0x0  }
0x16: {  	s3 =	sld [smem:$0x3FDB];
	s0 =	simm.s32 @p2 $0x1  }
0x17: {  	s4 =	simm.s32 $0x1BF5;
	[smem:$0x3FB9] =	sst s0  }
0x18: {  	s0 =	sld [smem:$0x3F9C];
	_ =	swait.ge [sflag:s4], $0x0  }
0x19: {  	s7 =	sld [smem:$0x3F9D]  }
0x1a: {  	s8 =	sadd.s32 $0xFFFFE003, lr  }
0x1b: {  	s9 =	sadd.s32 $0xFFFFFEF7, lr;
	s5 =	simm.s32 $0xFFFFFFFF;
	p2 =	slt.u32 s8, $0xFFFFF086  }
0x1c: {  	p1 =	slt.u32 s9, $0xF7A;
	s5 =	simm.s32 @!p2 $0x0  }
0x1d: {  	s5 =	simm.s32 @p1 $0x1;
	p0 =	seq.s32 s7, s2  }
0x1e: {  	s7 =	smul.u32 @!p0 $0xF7A, s2;
	p2 =	seq.s32 @!p0 s5, $0x0  }
0x1f: {  	s9 =	smul.u32 $0xF7A, s1;
	s8 =	simm.s32 @!p0 $0x1BF5;
	p2 =	por !p2, p0  }
0x20: {  	[sflag:s8] =	ssyncset.s32 @!p0 $0xFFFFF086;
	s6 =	sadd.s32 @!p0 s3, s7;
	s7 =	simm.s32 @!p0 $0x108  }
0x21: {  	s3 =	sadd.s32 s3, s9;
	s6 =	sadd.s32 @!p0 $0x88, s6;
	s7 =	simm.s32 @p2 $0x1082  }
0x22: {  	[simem:s7], [sflag:s8] =	dma.local @!p0 [hbm:s6], $0xF7A  }
0x23: {  	s9 =	sor.u32 $0xD0000000, s2;
	s6 =	simm.s32 $0x108;
	_ =	swait.ge @!p0 [sflag:s8], $0x0  }
0x24: {  	s3 =	sadd.s32 $0x88, s3;
	s6 =	simm.s32 @!p1 $0x1082;
	[sflag:s4] =	ssyncset.s32 $0xFFFFF086  }
0x25: {  	[simem:s6], [sflag:s4] =	dma.local [hbm:s3], $0xF7A  }
0x26: {  	[smem:$0x3F9D] =	sst s1;
	(tag) =	ssettag s2;
	_ =	strace s9  }
0x27: {  	s1 =	sld [smem:$0x3FAD]  }
0x28: {  	s2 =	sld [smem:$0x3FAE]  }
0x29: {  	s4 =	sld [smem:$0x3FB0]  }
0x2a: {  	p0 =	seq.s32 s5, $0x0;
	s5 =	sld [smem:$0x3FB1]  }
0x2b: {  	s6 =	sld [smem:$0x3FB2]  }
0x2c: {  	s7 =	sld [smem:$0x3FB3]  }
0x2d: {  	s3 =	simm.s32 $0x108;
	s8 =	sld [smem:$0x3FB4]  }
0x2e: {  	s3 =	simm.s32 @!p0 $0x1082;
	s9 =	sld [smem:$0x3FB5]  }
0x2f: {  	lr =	sadd.s32 s0, s3;
	s0 =	sld [smem:$0x3FAC]  }
0x30: {  	s3 =	sld [smem:$0x3FAF]  }
0x31: {  	[smem:$0x3FB8] =	sst s10  }
0x32: {  	s10 =	sld [smem:$0x3FB6];
	_ =	sdelay $0x3  }
0x33: {  	p0 =	seq.s32 s10, $0x1;
	s10 =	sld [smem:$0x3FB8];
	_ =	sdelay $0x3  }
0x34: {  	[smem:$0x3FB8] =	sst s10  }
0x35: {  	s10 =	sld [smem:$0x3FB7];
	_ =	sdelay $0x3  }
0x36: {  	p1 =	seq.s32 s10, $0x1;
	s10 =	sld [smem:$0x3FB8];
	_ =	sdelay $0x3  }
0x37: {  	[smem:$0x3FB8] =	sst s10  }
0x38: {  	s10 =	sld [smem:$0x3FB9]  }
0x39: {  	_ = 	snop;
	(pc) =	sbr.ind lr, $3  }
0x3a: {  	_ = 	snop  }
0x3b: {  	_ = 	snop  }
0x3c: {  	p2 =	seq.s32 s10, $0x1;
	s10 =	sld [smem:$0x3FB8]  }
0x3d: {  	_ =	shalt  }
0x3e: {  	_ =	shalt  }
0x3f: {  	_ =	shalt  }
0x40: {  	_ =	shalt  }
0x41: {  	_ =	shalt  }
0x42: {  	_ =	shalt  }
0x43: {  	_ =	shalt  }
0x44: {  	_ =	shalt  }
0x45: {  	_ =	shalt  }
0x46: {  	_ =	shalt  }
0x47: {  	_ =	shalt  }
0x48: {  	_ =	shalt  }
0x49: {  	_ =	shalt  }
0x4a: {  	_ =	shalt  }
0x4b: {  	_ =	shalt  }
0x4c: {  	_ =	shalt  }
0x4d: {  	_ =	shalt  }
0x4e: {  	_ =	shalt  }
0x4f: {  	_ =	shalt  }
0x50: {  	_ =	shalt  }
0x51: {  	_ =	shalt  }
0x52: {  	_ =	shalt  }
0x53: {  	_ =	shalt  }
0x54: {  	_ =	shalt  }
0x55: {  	_ =	shalt  }
0x56: {  	_ =	shalt  }
0x57: {  	_ =	shalt  }
0x58: {  	_ =	shalt  }
0x59: {  	_ =	shalt  }
0x5a: {  	_ =	shalt  }
0x5b: {  	_ =	shalt  }
0x5c: {  	_ =	shalt  }
0x5d: {  	_ =	shalt  }
0x5e: {  	_ =	shalt  }
0x5f: {  	_ =	shalt  }
0x60: {  	_ =	shalt  }
0x61: {  	_ =	shalt  }
0x62: {  	_ =	shalt  }
0x63: {  	_ =	shalt  }
0x64: {  	_ =	shalt  }
0x65: {  	_ =	shalt  }
0x66: {  	_ =	shalt  }
0x67: {  	_ =	shalt  }
0x68: {  	_ =	shalt  }
0x69: {  	_ =	shalt  }
0x6a: {  	_ =	shalt  }
0x6b: {  	_ =	shalt  }
0x6c: {  	_ =	shalt  }
0x6d: {  	_ =	shalt  }
0x6e: {  	_ =	shalt  }
0x6f: {  	_ =	shalt  }
0x70: {  	_ =	shalt  }
0x71: {  	_ =	shalt  }
0x72: {  	_ =	shalt  }
0x73: {  	_ =	shalt  }
0x74: {  	_ =	shalt  }
0x75: {  	_ =	shalt  }
0x76: {  	_ =	shalt  }
0x77: {  	_ =	shalt  }
0x78: {  	_ =	shalt  }
0x79: {  	_ =	shalt  }
0x7a: {  	_ =	shalt  }
0x7b: {  	_ =	shalt  }
0x7c: {  	_ =	shalt  }
0x7d: {  	_ =	shalt  }
0x7e: {  	_ =	shalt  }
0x7f: {  	_ =	shalt  }
0x80: {  	_ =	shalt  }
0x81: {  	_ =	shalt  }
0x82: {  	_ =	shalt  }
0x83: {  	_ =	shalt  }
0x84: {  	_ =	shalt  }
0x85: {  	_ =	shalt  }
0x86: {  	_ =	shalt  }
0x87: {  	_ =	shalt  }
.Lfunc_end0:
.L_simem_size_0:
called_computation.1_lowered:
.L_overlay_start_0:
0x88: {  	s2 =	sld [smem:$0x3FD9]  }
0x89: {  	s3 =	sld [smem:$0x3FFE];
	_ =	sdelay $0x1  }
0x8a: {  	s1 =	srdreg.scid  }
0x8b: {  	s0 =	sand.u32 $0x1, s1  }
0x8c: {  	s17 =	sshll.u32 s0, $0xA;
	s2 =	sadd.s32 s3, s2  }
0x8d: {  	s2 =	sadd.s32 s2, s17  }
0x8e: {  	[smem:$0x3FC4] =	sst s2  }
0x8f: {  	_ = 	snop  }
0x90: {  	s2 =	sld [smem:$0x3FD0];
	(tm) =	ssettm $0x1  }
0x91: {  	s18 =	sld [smem:$0x3FFB];
	_ =	sdelay $0x3  }
0x92: {  	_ =	strace s18  }
0x93: {  	s3 =	sld [smem:$0x3FFC];
	_ =	sdelay $0x3  }
0x94: {  	_ =	strace s3  }
0x95: {  	s3 =	sld [smem:$0x3FFD];
	_ =	sdelay $0x3  }
0x96: {  	_ =	strace s3  }
0x97: {  	_ =	strace $0x8FFFFFFF  }
0x98: {  	s19 =	sld [smem:$0x3FDB];
	_ =	sdelay $0x1  }
0x99: {  	s4 =	simm.s32 $_scs_section_size  }
0x9a: {  	s5 =	simm.s32 $_size__tile_overlayer_lowered;
	s6 =	simm.s32 $_tile_overlayer_lowered  }
0x9b: {  	s22 =	simm.s32 $0x1BFF;
	s21 =	sshll.u32 s6, $0x1;
	s3 =	sadd.s32 s4, s19  }
0x9c: {  	s7 =	simm.s32 $0x0;
	s20 =	sshll.u32 s5, $0x1;
	s5 =	sadd.s32 s21, s3  }
0x9d: {  	[timem:s7], [sflag:s22] =	dma.local [hbm:s5], s20  }
0x9e: {  	_ =	swait.ge [sflag:s22], s20  }
0x9f: {  	s4 =	ssub.s32 $0x0, s20;
	[sflag:s22] =	ssyncset.done $0x0  }
0xa0: {  	[sflag:s22] =	ssyncadd.s32 s4;
	_ =	sdelay $0x1  }
0xa1: {  	s23 =	simm.s32 $0x1B8B  }
0xa2: {  	_ =	swait.ge [sflag:s23], $0x1  }
0xa3: {  	[sflag:s23] =	ssyncset.done $0x0  }
0xa4: {  	s25 =	simm.s32 $0x1B8E;
	s24 =	sld [smem:$0x3FFE];
	[sflag:s23] =	ssyncadd.s32 $0xFFFFFFFF  }
0xa5: {  	s26 =	simm.s32 $execute0_lowered;
	[smem:$0x3FD2] =	sst s25  }
0xa6: {  	s5 =	sshll.u32 s26, $0x1;
	_ =	strace $0x80000049;
	[dreg:$0x1] =	wrdreg $0xFFFFFFFF  }
0xa7: {  	s28 =	simm.s32 $_size_execute0_lowered;
	s3 =	sadd.s32 s3, s5;
	[dreg:$0x0] =	wrdreg $0x0  }
0xa8: {  	s5 =	sshll.u32 s28, $0x1;
	[dreg:$0x2] =	wrdreg s3  }
0xa9: {  	[dreg:$0x3] =	wrdreg s5  }
0xaa: {  	[dreg:$0x4] =	wrdreg $0xC0  }
0xab: {  	_ =	task [dreg:s7], $0x5FFFF  }
0xac: {  	[dreg:$0x1] =	wrdreg $0xFFFFFFFF  }
0xad: {  	[dreg:$0x0] =	wrdreg $0x60  }
0xae: {  	[dreg:$0x2] =	wrdreg s24  }
0xaf: {  	[dreg:$0x3] =	wrdreg s2  }
0xb0: {  	[dreg:$0x4] =	wrdreg $0x9  }
0xb1: {  	_ =	task.clear_ibuf [dreg:s7], $0x5FFFF;
	_ =	strace $0x90000049  }
0xb2: {  	s29 =	simm.s32 $0x9;
	_ =	strace $0x8000004B  }
0xb3: {  	_ =	swait.ge [sflag:s29], $0x1  }
0xb4: {  	[sflag:s29] =	ssyncadd.s32 $0xFFFFFFFF  }
0xb5: {  	_ =	strace $0x9000004B  }
0xb6: {  	_ =	sfence  }
0xb7: {  	s30 =	sld [smem:$0x0];
	_ =	sdelay $0x2  }
0xb8: {  	s31 =	sshll.u32 s1, $0xD;
	s1 =	sshrl.u32 s1, $0x2  }
0xb9: {  	s3 =	sand.u32 $0x4000, s31;
	s1 =	sadd.s32 s1, s30  }
0xba: {  	s0 =	sor.u32 s3, s0;
	s1 =	sshll.u32 s1, $0x11  }
0xbb: {  	s0 =	sor.u32 s1, s0  }
0xbc: {  	s0 =	sadd.s32 $0x8F2B, s0  }
0xbd: {  	[sflag:s0] =	ssyncadd.remote.s32 $0x1  }
0xbe: {  	_ =	sfence.sel $0xFFFF  }
0xbf: {  	[dreg:$0x0] =	wrdreg $0xFFFFFFFF;
	(pc) =	sbr.abs _section_cstart, $3  }
0xc0: {  	[dreg:$0x1] =	wrdreg $0xFFFFFFFF  }
0xc1: {  	_ =	task.clear_ibuf [dreg:s7], $0x2FFFF;
	_ =	strace $0x9FFFFFFF  }
0xc2: {  	(tm) =	ssettm $0x7FFFFFFF  }
0xc3: {  	_ =	shalt  }
tec
execute0_lowered:
.L_overlay_start_1:
0x0: {  	(tag) =	ssettag $0x1  }
0x1: {  	s4 =	rddreg [dreg:$0x0]  }
0x2: {  	s2 =	rddreg [dreg:$0x1];
	s3 =	srdreg.scid  }
0x3: {  	s0 =	rddreg [dreg:$0x2];
	s1 =	stileid.u32;
	s13 =	simm.s32 $0x4000  }
0x4: {  	s14 =	simm.s32 $0x4080;
	s15 =	simm.s32 $0x4100;
	s16 =	simm.s32 $0x4180  }
0x5: {  	s17 =	simm.s32 $0x6;
	s18 =	simm.s32 $0x1;
	s19 =	simm.s32 $0x800  }
0x6: {  	s20 =	simm.s32 $0x1000;
	s21 =	simm.s32 $0x1800;
	s22 =	simm.s32 $0x2000  }
0x7: {  	s23 =	simm.s32 $0x2800;
	s24 =	simm.s32 $0x3000;
	s25 =	simm.s32 $0x3800  }
0x8: {  	s26 =	simm.s32 $0x2;
	s28 =	simm.s32 $0x3;
	s29 =	simm.s32 $0x4  }
0x9: {  	s30 =	simm.s32 $0x5;
	s5 =	sand.u32 $0x1, s3;
	s3 =	simm.s32 $0x0  }
0xa: {  	s6 =	sshll.u32 s1, $0x7;
	s9 =	sadd.s32 $0x100, s2;
	s10 =	sadd.s32 $0x200, s2  }
0xb: {  	s11 =	sadd.s32 $0x300, s2;
	s7 =	sshll.u32 s5, $0x6;
	[smem:$0x7FF] =	sst s3  }
0xc: {  	s5 =	ssub.s32 $0x2, s5;
	s6 =	sor.u32 s7, s6;
	_ =	strace $0x8000004A  }
0xd: {  	v2 =	vlaneseq.u32;
	s31 =	sshrl.u32 s5, $0x1;
	s8 =	sadd.s32 s6, s4;
	s4 =	sadd.s32 $0x1800, s4  }
0xe: {  	vm0 =	vmmov $0xffff;
	v1 =	vshrl.u32 v2, $0x3;
	s12 =	ssub.s32 s5, s31;
	s5 =	sadd.s32 $0x2000, s8;
	s6 =	sadd.s32 $0x2010, s8  }
0xf: {  	v0 =	vand.u32 $0x7, v2;
	v2 =	vor.u32 $0x8, v2;
	v1 =	vmul.u32 $0x8, v1;
	s7 =	sadd.s32 $0x2020, s8;
	s8 =	sadd.s32 $0x2030, s8;
	s12 =	smax.u32 s12, $0x1  }
.LBB2_1:
0x10: {  	[tilespmem:s13], [sflag:$0x1] =	stream.linear.gather [hbm4b:s5+s3], $0x80, $0x38;
	[tilespmem:$0x4200] =	vst v63  }
0x11: {  	_ = 	snop  }
0x12: {  	[tilespmem:s14], [sflag:$0x2] =	stream.linear.gather [hbm4b:s6+s3], $0x80, $0x38;
	[tilespmem:$0x4200] =	vst v63  }
0x13: {  	_ = 	snop  }
0x14: {  	[tilespmem:s15], [sflag:$0x3] =	stream.linear.gather [hbm4b:s7+s3], $0x80, $0x38;
	[tilespmem:$0x4200] =	vst v63  }
0x15: {  	_ = 	snop  }
0x16: {  	[tilespmem:s16], [sflag:$0x4] =	stream.linear.gather [hbm4b:s8+s3], $0x80, $0x38;
	[tilespmem:$0x4200] =	vst v63  }
0x17: {  	_ = 	snop  }
0x18: {  	[tilespmem:s3], [sflag:$0x6] =	stream.linear.gather [hbm4b:s4+s3], $0x4000, $0x38;
	[tilespmem:$0x4200] =	vst v63  }
0x19: {  	_ =	swait.ge [sflag:s17], $0x4000  }
0x1a: {  	[sflag:s17] =	ssyncset.done $0x0  }
0x1b: {  	[sflag:s17] =	ssyncadd.s32 $0xFFFFC000  }
0x1c: {  	_ =	swait.ge [sflag:s18], $0x80  }
0x1d: {  	[sflag:s18] =	ssyncset.done $0x0  }
0x1e: {  	[sflag:s18] =	ssyncadd.s32 $0xFFFFFF80  }
0x1f: {  	v3 =	vld [tilespmem:$0x4000];
	_ =	sdelay $0x4  }
0x20: {  	v4 =	vshll.u32 v3, $0x3  }
0x21: {  	v3 =	vand.u32 $0x7, v3;
	v4 =	vand.u32 $0xFFFFFFC0, v4  }
0x22: {  	v3 =	vor.u32 v3, v4  }
0x23: {  	v4 =	vperm.xlane v3, v0;
	_ =	sdelay $0x1  }
0x24: {  	v4 =	vadd.s32 v1, v4;
	_ =	sdelay $0x4  }
0x25: {  	[hbm4b:s2+s3] =	stream.indirect_vreg.scatter [tilespmem:s3], [sflag:$0x5], $0x80, v4, vm0, $0xb8;
	[tilespmem:$0x4200] =	vst v63  }
0x26: {  	v3 =	vperm.xlane v3, v2  }
0x27: {  	[hbm4b:s9+s3] =	stream.indirect_vreg.scatter [tilespmem:s19], [sflag:$0x5], $0x80, v4, vm0, $0xb8;
	[tilespmem:$0x4200] =	vst v63  }
0x28: {  	v3 =	vadd.s32 v1, v3  }
0x29: {  	[hbm4b:s10+s3] =	stream.indirect_vreg.scatter [tilespmem:s20], [sflag:$0x5], $0x80, v4, vm0, $0xb8;
	[tilespmem:$0x4200] =	vst v63  }
0x2a: {  	_ = 	snop  }
0x2b: {  	[hbm4b:s11+s3] =	stream.indirect_vreg.scatter [tilespmem:s21], [sflag:$0x5], $0x80, v4, vm0, $0xb8;
	[tilespmem:$0x4200] =	vst v63  }
0x2c: {  	_ = 	snop  }
0x2d: {  	[hbm4b:s2+s3] =	stream.indirect_vreg.scatter [tilespmem:s22], [sflag:$0x5], $0x80, v3, vm0, $0xb8;
	[tilespmem:$0x4200] =	vst v63  }
0x2e: {  	_ = 	snop  }
0x2f: {  	[hbm4b:s9+s3] =	stream.indirect_vreg.scatter [tilespmem:s23], [sflag:$0x5], $0x80, v3, vm0, $0xb8;
	[tilespmem:$0x4200] =	vst v63  }
0x30: {  	_ = 	snop  }
0x31: {  	[hbm4b:s10+s3] =	stream.indirect_vreg.scatter [tilespmem:s24], [sflag:$0x5], $0x80, v3, vm0, $0xb8;
	[tilespmem:$0x4200] =	vst v63  }
0x32: {  	_ = 	snop  }
0x33: {  	[hbm4b:s11+s3] =	stream.indirect_vreg.scatter [tilespmem:s25], [sflag:$0x5], $0x80, v3, vm0, $0xb8;
	[tilespmem:$0x4200] =	vst v63  }
0x34: {  	_ =	swait.ge [sflag:s26], $0x80  }
0x35: {  	[sflag:s26] =	ssyncset.done $0x0  }
0x36: {  	[sflag:s26] =	ssyncadd.s32 $0xFFFFFF80  }
0x37: {  	v3 =	vld [tilespmem:$0x4080];
	_ =	sdelay $0x4  }
0x38: {  	v61 =	vshll.u32 v3, $0x3  }
0x39: {  	v3 =	vand.u32 $0x7, v3;
	v4 =	vand.u32 $0xFFFFFFC0, v61  }
0x3a: {  	v3 =	vor.u32 v3, v4  }
0x3b: {  	v4 =	vperm.xlane v3, v0;
	_ =	sdelay $0x1  }
0x3c: {  	v4 =	vadd.s32 v1, v4;
	_ =	sdelay $0x4  }
0x3d: {  	[hbm4b:s2+s3] =	stream.indirect_vreg.scatter [tilespmem:s3], [sflag:$0x5], $0x80, v4, vm0, $0xb8;
	[tilespmem:$0x4200] =	vst v63  }
0x3e: {  	v3 =	vperm.xlane v3, v2  }
0x3f: {  	[hbm4b:s9+s3] =	stream.indirect_vreg.scatter [tilespmem:s19], [sflag:$0x5], $0x80, v4, vm0, $0xb8;
	[tilespmem:$0x4200] =	vst v63  }
0x40: {  	v3 =	vadd.s32 v1, v3  }
0x41: {  	[hbm4b:s10+s3] =	stream.indirect_vreg.scatter [tilespmem:s20], [sflag:$0x5], $0x80, v4, vm0, $0xb8;
	[tilespmem:$0x4200] =	vst v63  }
0x42: {  	_ = 	snop  }
0x43: {  	[hbm4b:s11+s3] =	stream.indirect_vreg.scatter [tilespmem:s21], [sflag:$0x5], $0x80, v4, vm0, $0xb8;
	[tilespmem:$0x4200] =	vst v63  }
0x44: {  	_ = 	snop  }
0x45: {  	[hbm4b:s2+s3] =	stream.indirect_vreg.scatter [tilespmem:s22], [sflag:$0x5], $0x80, v3, vm0, $0xb8;
	[tilespmem:$0x4200] =	vst v63  }
0x46: {  	_ = 	snop  }
0x47: {  	[hbm4b:s9+s3] =	stream.indirect_vreg.scatter [tilespmem:s23], [sflag:$0x5], $0x80, v3, vm0, $0xb8;
	[tilespmem:$0x4200] =	vst v63  }
0x48: {  	_ = 	snop  }
0x49: {  	[hbm4b:s10+s3] =	stream.indirect_vreg.scatter [tilespmem:s24], [sflag:$0x5], $0x80, v3, vm0, $0xb8;
	[tilespmem:$0x4200] =	vst v63  }
0x4a: {  	_ = 	snop  }
0x4b: {  	[hbm4b:s11+s3] =	stream.indirect_vreg.scatter [tilespmem:s25], [sflag:$0x5], $0x80, v3, vm0, $0xb8;
	[tilespmem:$0x4200] =	vst v63  }
0x4c: {  	_ =	swait.ge [sflag:s28], $0x80  }
0x4d: {  	[sflag:s28] =	ssyncset.done $0x0  }
0x4e: {  	[sflag:s28] =	ssyncadd.s32 $0xFFFFFF80  }
0x4f: {  	v3 =	vld [tilespmem:$0x4100];
	_ =	sdelay $0x4  }
0x50: {  	v62 =	vshll.u32 v3, $0x3  }
0x51: {  	v3 =	vand.u32 $0x7, v3;
	v4 =	vand.u32 $0xFFFFFFC0, v62  }
0x52: {  	v3 =	vor.u32 v3, v4  }
0x53: {  	v4 =	vperm.xlane v3, v0;
	_ =	sdelay $0x1  }
0x54: {  	v4 =	vadd.s32 v1, v4;
	_ =	sdelay $0x4  }
0x55: {  	[hbm4b:s2+s3] =	stream.indirect_vreg.scatter [tilespmem:s3], [sflag:$0x5], $0x80, v4, vm0, $0xb8;
	[tilespmem:$0x4200] =	vst v63  }
0x56: {  	v3 =	vperm.xlane v3, v2  }
0x57: {  	[hbm4b:s9+s3] =	stream.indirect_vreg.scatter [tilespmem:s19], [sflag:$0x5], $0x80, v4, vm0, $0xb8;
	[tilespmem:$0x4200] =	vst v63  }
0x58: {  	v3 =	vadd.s32 v1, v3  }
0x59: {  	[hbm4b:s10+s3] =	stream.indirect_vreg.scatter [tilespmem:s20], [sflag:$0x5], $0x80, v4, vm0, $0xb8;
	[tilespmem:$0x4200] =	vst v63  }
0x5a: {  	_ = 	snop  }
0x5b: {  	[hbm4b:s11+s3] =	stream.indirect_vreg.scatter [tilespmem:s21], [sflag:$0x5], $0x80, v4, vm0, $0xb8;
	[tilespmem:$0x4200] =	vst v63  }
0x5c: {  	_ = 	snop  }
0x5d: {  	[hbm4b:s2+s3] =	stream.indirect_vreg.scatter [tilespmem:s22], [sflag:$0x5], $0x80, v3, vm0, $0xb8;
	[tilespmem:$0x4200] =	vst v63  }
0x5e: {  	_ = 	snop  }
0x5f: {  	[hbm4b:s9+s3] =	stream.indirect_vreg.scatter [tilespmem:s23], [sflag:$0x5], $0x80, v3, vm0, $0xb8;
	[tilespmem:$0x4200] =	vst v63  }
0x60: {  	_ = 	snop  }
0x61: {  	[hbm4b:s10+s3] =	stream.indirect_vreg.scatter [tilespmem:s24], [sflag:$0x5], $0x80, v3, vm0, $0xb8;
	[tilespmem:$0x4200] =	vst v63  }
0x62: {  	_ = 	snop  }
0x63: {  	[hbm4b:s11+s3] =	stream.indirect_vreg.scatter [tilespmem:s25], [sflag:$0x5], $0x80, v3, vm0, $0xb8;
	[tilespmem:$0x4200] =	vst v63  }
0x64: {  	_ =	swait.ge [sflag:s29], $0x80  }
0x65: {  	[sflag:s29] =	ssyncset.done $0x0  }
0x66: {  	[sflag:s29] =	ssyncadd.s32 $0xFFFFFF80  }
0x67: {  	v3 =	vld [tilespmem:$0x4180];
	_ =	sdelay $0x4  }
0x68: {  	v63 =	vshll.u32 v3, $0x3  }
0x69: {  	v3 =	vand.u32 $0x7, v3;
	v4 =	vand.u32 $0xFFFFFFC0, v63  }
0x6a: {  	v3 =	vor.u32 v3, v4  }
0x6b: {  	v4 =	vperm.xlane v3, v0;
	_ =	sdelay $0x1  }
0x6c: {  	v4 =	vadd.s32 v1, v4;
	_ =	sdelay $0x4  }
0x6d: {  	[hbm4b:s2+s3] =	stream.indirect_vreg.scatter [tilespmem:s3], [sflag:$0x5], $0x80, v4, vm0, $0xb8;
	[tilespmem:$0x4200] =	vst v63  }
0x6e: {  	v3 =	vperm.xlane v3, v2  }
0x6f: {  	[hbm4b:s9+s3] =	stream.indirect_vreg.scatter [tilespmem:s19], [sflag:$0x5], $0x80, v4, vm0, $0xb8;
	[tilespmem:$0x4200] =	vst v63  }
0x70: {  	v3 =	vadd.s32 v1, v3  }
0x71: {  	[hbm4b:s10+s3] =	stream.indirect_vreg.scatter [tilespmem:s20], [sflag:$0x5], $0x80, v4, vm0, $0xb8;
	[tilespmem:$0x4200] =	vst v63  }
0x72: {  	_ = 	snop  }
0x73: {  	[hbm4b:s11+s3] =	stream.indirect_vreg.scatter [tilespmem:s21], [sflag:$0x5], $0x80, v4, vm0, $0xb8;
	[tilespmem:$0x4200] =	vst v63  }
0x74: {  	_ = 	snop  }
0x75: {  	[hbm4b:s2+s3] =	stream.indirect_vreg.scatter [tilespmem:s22], [sflag:$0x5], $0x80, v3, vm0, $0xb8;
	[tilespmem:$0x4200] =	vst v63  }
0x76: {  	_ = 	snop  }
0x77: {  	[hbm4b:s9+s3] =	stream.indirect_vreg.scatter [tilespmem:s23], [sflag:$0x5], $0x80, v3, vm0, $0xb8;
	[tilespmem:$0x4200] =	vst v63  }
0x78: {  	_ = 	snop  }
0x79: {  	[hbm4b:s10+s3] =	stream.indirect_vreg.scatter [tilespmem:s24], [sflag:$0x5], $0x80, v3, vm0, $0xb8;
	[tilespmem:$0x4200] =	vst v63  }
0x7a: {  	_ = 	snop  }
0x7b: {  	[hbm4b:s11+s3] =	stream.indirect_vreg.scatter [tilespmem:s25], [sflag:$0x5], $0x80, v3, vm0, $0xb8;
	[tilespmem:$0x4200] =	vst v63  }
0x7c: {  	_ =	swait.ge [sflag:s30], $0x4000  }
0x7d: {  	[sflag:s30] =	ssyncset.done $0x0  }
0x7e: {  	[sflag:s30] =	ssyncadd.s32 $0xFFFFC000  }
0x7f: {  	_ =	swait.ge [sflag:s30], $0x4000  }
0x80: {  	[sflag:s30] =	ssyncset.done $0x0  }
0x81: {  	[sflag:s30] =	ssyncadd.s32 $0xFFFFC000  }
0x82: {  	p0 =	sne.s32 s12, $0x1;
	_ =	swait.ge [sflag:s30], $0x4000  }
.Ltmp0:
0x83: {  	[sflag:s30] =	ssyncset.done $0x0;
	(pc) =	sbr.rel @p0 .LBB2_1-.Ltmp0, $4  }
0x84: {  	[sflag:s30] =	ssyncadd.s32 $0xFFFFC000  }
0x85: {  	_ =	swait.ge [sflag:s30], $0x4000  }
0x86: {  	[sflag:s30] =	ssyncset.done $0x0  }
0x87: {  	s12 =	sadd.s32 $0xFFFFFFFF, s12;
	[sflag:s30] =	ssyncadd.s32 $0xFFFFC000  }
0x88: {  	_ =	sfence.sel $0x180000  }
0x89: {  	[bflag:$0x0] =	sbarrier.arrive $0xFFFF  }
0x8a: {  	p0 =	sne.s32 s1, $0x0;
	_ =	strace $0x9000004A  }
0x8b: {  	s0 =	sadd.s32 @!p0 $0x100000, s0;
	[bflag:$0x2] =	sbarrier.arrive $0xFFFF  }
0x8c: {  	[sflag:s0] =	ssyncadd.tile.s32 @!p0 $0x1;
	_ =	shalt  }
.Lfunc_end2:
_tile_overlayer_lowered:
.L_overlay_start_2:
0x8d: {  	(tag) =	ssettag $0x2  }
0x8e: {  	s0 =	rddreg [dreg:$0x0];
	s2 =	stileid.u32  }
0x8f: {  	s1 =	rddreg [dreg:$0x1];
	p0 =	sne.s32 s2, $0x0  }
0x90: {  	s3 =	rddreg [dreg:$0x2];
	[bflag:$0x3] =	sbarrier.arrive $0xFFFF;
	s2 =	simm.s32 @!p0 $0x1C06  }
0x91: {  	[timem:s3], [sflag:s2] =	dma.local @!p0 [hbm:s0], s1  }
0x92: {  	s0 =	simm.s32 @!p0 $0x6  }
0x93: {  	_ =	swait.ge @!p0 [sflag:s0], s1  }
0x94: {  	s1 =	ssub.s32 @!p0 $0x0, s1;
	[sflag:s0] =	ssyncset.done @!p0 $0x0  }
0x95: {  	[sflag:s0] =	ssyncadd.s32 @!p0 s1  }
0x96: {  	[bflag:$0x3] =	sbarrier.arrive $0xFFFF  }
0x97: {  	_ =	shalt  }

</sc_bundles>
